<compile_context>
chip_gen: v7x
topology: tpu7x:2x2x1
jax: 0.10.2.dev20260603
libtpu: 0.0.44.dev20260713+nightly
codegen_flags: <defaults>
</compile_context>

<pallas_src>
import functools

import jax
import jax.numpy as jnp
from jax import lax
from jax.experimental import pallas as pl
from jax.experimental.pallas import tpu as pltpu
from jax.experimental.pallas import tpu_sc as plsc

N = 5000
NPAD = 5120
A = 8400
K = 80
NC = 2
NS = 16
L = 16
NH = NPAD // NC
KC = K // NS
CHUNK = NH // NS
NV1 = NH // L
NV2 = CHUNK // L

_MESH = plsc.VectorSubcoreMesh(core_axis_name="c", subcore_axis_name="s",
                               num_cores=NC, num_subcores=NS)


@functools.partial(
    pl.kernel,
    out_type=[
        jax.ShapeDtypeStruct((1, N, 4), jnp.float32),
        jax.ShapeDtypeStruct((1, N), jnp.float32),
        jax.ShapeDtypeStruct((1, N), jnp.int32),
    ],
    mesh=_MESH,
    compiler_params=pltpu.CompilerParams(
        needs_layout_passes=False,
        use_tc_tiling_on_sc=False,
        skip_device_barrier=True,
    ),
    scratch_types=[
        pltpu.VMEM((NH,), jnp.int32),
        pltpu.VMEM((CHUNK * 4,), jnp.int32),
        pltpu.VMEM((CHUNK * 4,), jnp.float32),
        pltpu.VMEM((KC * A,), jnp.float32),
        pltpu.VMEM((NH,), jnp.float32),
        pltpu.VMEM((NH,), jnp.int32),
        pltpu.VMEM_SHARED((NS * NH,), jnp.float32),
        pltpu.VMEM_SHARED((NS * NH,), jnp.int32),
        pltpu.VMEM((NS * CHUNK,), jnp.float32),
        pltpu.VMEM((NS * CHUNK,), jnp.int32),
        pltpu.VMEM((CHUNK, 4), jnp.float32),
        pltpu.VMEM((CHUNK,), jnp.float32),
        pltpu.VMEM((CHUNK,), jnp.int32),
        pltpu.SemaphoreType.DMA,
        pltpu.SemaphoreType.DMA,
        pltpu.SemaphoreType.DMA,
    ],
)
def _sc_transform(idx_hbm, boxes_hbm, scores_hbm,
                  out_bbox, out_score, out_cls,
                  idx_v, ilist_v, braw_v, rows_v, pmax_v, pcls_v,
                  shm, shc, pbm, pbc, bbox_v, sco_v, clo_v,
                  sem_s, sem_box, sem_p):
    cid = lax.axis_index("c")
    sid = lax.axis_index("s")
    lane = lax.broadcasted_iota(jnp.int32, (L,), 0)
    base2 = sid * CHUNK
    core_start = jnp.minimum(cid * NH, N - NH)
    doff = cid * NH - core_start

    sc_cp = pltpu.make_async_copy(
        scores_hbm.at[pl.ds(sid * (KC * A), KC * A)], rows_v, sem_s)
    sc_cp.start()
    pltpu.sync_copy(idx_hbm.at[pl.ds(core_start, NH)], idx_v)

    @plsc.parallel_loop(0, NV2, unroll=1)
    def build_ilist(v):
        pos = jnp.minimum(lane + (base2 + v * L) + doff, NH - 1)
        iv = plsc.load_gather(idx_v, [pos])
        p4 = (v * L + lane) * 4
        plsc.store_scatter(ilist_v, [p4], iv)
        plsc.store_scatter(ilist_v, [p4 + 1], iv + jnp.full((L,), A, jnp.int32))
        plsc.store_scatter(ilist_v, [p4 + 2], iv + jnp.full((L,), 2 * A, jnp.int32))
        plsc.store_scatter(ilist_v, [p4 + 3], iv + jnp.full((L,), 3 * A, jnp.int32))

    box_cp = pltpu.make_async_copy(boxes_hbm.at[ilist_v], braw_v, sem_box)
    box_cp.start()
    sc_cp.wait()

    kbase = sid * KC

    @plsc.parallel_loop(0, NV1, unroll=2)
    def s1_body(v):
        pos = jnp.minimum(lane + v * L + doff, NH - 1)
        iv = plsc.load_gather(idx_v, [pos])
        m = plsc.load_gather(rows_v, [iv])
        cls = jnp.broadcast_to(kbase, (L,)).astype(jnp.int32)
        for k in range(1, KC):
            g = plsc.load_gather(rows_v, [iv + jnp.full((L,), k * A, jnp.int32)])
            upd = g > m
            m = jnp.where(upd, g, m)
            cls = jnp.where(upd,
                            jnp.broadcast_to(kbase + k, (L,)).astype(jnp.int32),
                            cls)
        pmax_v[pl.ds(v * L, L)] = m
        pcls_v[pl.ds(v * L, L)] = cls

    pltpu.sync_copy(pmax_v, shm.at[pl.ds(sid * NH, NH)])
    pltpu.sync_copy(pcls_v, shc.at[pl.ds(sid * NH, NH)])
    plsc.subcore_barrier()

    handles = []
    for t in range(NS):
        handles.append(pltpu.make_async_copy(
            shm.at[pl.ds(t * NH + base2, CHUNK)],
            pbm.at[pl.ds(t * CHUNK, CHUNK)], sem_p))
        handles.append(pltpu.make_async_copy(
            shc.at[pl.ds(t * NH + base2, CHUNK)],
            pbc.at[pl.ds(t * CHUNK, CHUNK)], sem_p))
    for h in handles:
        h.start()
    for h in handles:
        h.wait()
    box_cp.wait()

    @plsc.parallel_loop(0, NV2, unroll=1)
    def s2_body(v):
        off = v * L
        m = pbm[pl.ds(off, L)]
        cls = pbc[pl.ds(off, L)]
        for t in range(1, NS):
            mt = pbm[pl.ds(t * CHUNK + off, L)]
            ct = pbc[pl.ds(t * CHUNK + off, L)]
            upd = mt > m
            m = jnp.where(upd, mt, m)
            cls = jnp.where(upd, ct, cls)
        sco_v[pl.ds(off, L)] = m
        clo_v[pl.ds(off, L)] = cls

        p4 = (off + lane) * 4
        cx = plsc.load_gather(braw_v, [p4])
        cy = plsc.load_gather(braw_v, [p4 + 1])
        w = plsc.load_gather(braw_v, [p4 + 2])
        h = plsc.load_gather(braw_v, [p4 + 3])
        hw = 0.5 * w
        hh = 0.5 * h
        x1 = (cx - hw) / 640.0
        y1 = (cy - hh) / 480.0
        x2 = (cx + hw) / 640.0
        y2 = (cy + hh) / 480.0
        orow = off + lane
        zero = jnp.zeros((L,), jnp.int32)
        plsc.store_scatter(bbox_v, [orow, zero], x1)
        plsc.store_scatter(bbox_v, [orow, zero + 1], y1)
        plsc.store_scatter(bbox_v, [orow, zero + 2], x2)
        plsc.store_scatter(bbox_v, [orow, zero + 3], y2)

    gbase = cid * NH + base2
    is_last = jnp.logical_and(cid == NC - 1, sid == NS - 1)
    last = N - (NC * NS - 1) * CHUNK

    @pl.when(jnp.logical_not(is_last))
    def _full():
        pltpu.sync_copy(sco_v, out_score.at[0, pl.ds(gbase, CHUNK)])
        pltpu.sync_copy(clo_v, out_cls.at[0, pl.ds(gbase, CHUNK)])
        pltpu.sync_copy(bbox_v, out_bbox.at[0, pl.ds(gbase, CHUNK), :])

    @pl.when(is_last)
    def _tail():
        pltpu.sync_copy(sco_v.at[pl.ds(0, last)],
                        out_score.at[0, pl.ds(N - last, last)])
        pltpu.sync_copy(clo_v.at[pl.ds(0, last)],
                        out_cls.at[0, pl.ds(N - last, last)])
        pltpu.sync_copy(bbox_v.at[pl.ds(0, last), :],
                        out_bbox.at[0, pl.ds(N - last, last), :])


def kernel(idxTensor, boxes, scores):
    idx_col = idxTensor[:, -1]
    boxes_flat = boxes.reshape(4 * A)
    scores_flat = scores.reshape(K * A)
    bbox_xyxy, score_result, classes_result = _sc_transform(
        idx_col, boxes_flat, scores_flat)
    num_dets = jnp.array(N, dtype=jnp.int32)
    return (bbox_xyxy, score_result, classes_result, num_dets)

# --- scband reference (transcript-rebuilt; emitter-appended) ---
"""Pipeline reference for scband-transform-56513179680796 (READ-ONLY COPY).

The authoritative reference and input builder live on the scoring server;
editing this copy changes nothing except your own understanding.
"""

import jax, jax.numpy as jnp
import numpy as np


def setup_inputs(seed: int = 0) -> dict:
    key = jax.random.key(seed)
    k1, k2, k3 = jax.random.split(key, 3)
    idxTensor = jax.random.randint(k1, (5000, 3), 0, 8400, dtype=jnp.int32)
    boxes = jax.random.uniform(k2, (1, 4, 8400), dtype=jnp.float32)
    scores = jax.random.uniform(k3, (1, 80, 8400), dtype=jnp.float32)
    return {"idxTensor": idxTensor, "boxes": boxes, "scores": scores}


def _gather(target, idx):
    # target: [1, C, A] -> permute to [1, A, C], gather picked anchors along axis 1
    t = jnp.transpose(target, (0, 2, 1))  # [1, A, C]
    return jnp.take(t, idx, axis=1)       # [1, N, C]


def reference(idxTensor, boxes, scores):
    idx = idxTensor[:, -1]  # [N] anchor indices (last column)

    bbox_result = _gather(boxes, idx)   # [1, N, 4] in cxcywh
    score_g = _gather(scores, idx)      # [1, N, num_classes]

    score_result = jnp.max(score_g, axis=-1)       # [1, N]
    classes_result = jnp.argmax(score_g, axis=-1)  # [1, N]
    num_dets = jnp.array(score_result.shape[-1], dtype=jnp.int32)

    # box_convert cxcywh -> xyxy
    cx = bbox_result[..., 0]
    cy = bbox_result[..., 1]
    w = bbox_result[..., 2]
    h = bbox_result[..., 3]
    x1 = cx - 0.5 * w
    y1 = cy - 0.5 * h
    x2 = cx + 0.5 * w
    y2 = cy + 0.5 * h
    # normalize: x coords (dims 0 and 2) by 640, y coords (dims 1 and 3) by 480
    bbox_xyxy = jnp.stack([x1 / 640.0, y1 / 480.0, x2 / 640.0, y2 / 480.0], axis=-1)

    return (bbox_xyxy, score_result, classes_result, num_dets)

if __name__ == "__main__":
    import jax
    _d = setup_inputs()
    print(jax.jit(kernel)(*tuple(_d.values())))

</pallas_src>

<mosaic_0001>
#map = affine_map<(d0, d1) -> (0)>
#map1 = affine_map<(d0, d1) -> (0, 0, 0)>
#map2 = affine_map<(d0, d1) -> (0, 0)>
module attributes {stable_mosaic.version = 14 : i64} {
  func.func @_sc_transform(%arg0: i32, %arg1: i32, %arg2: memref<5000xi32, #tpu.memory_space<hbm>>, %arg3: memref<33600xf32, #tpu.memory_space<hbm>>, %arg4: memref<672000xf32, #tpu.memory_space<hbm>>, %arg5: memref<1x5000x4xf32, #tpu.memory_space<hbm>>, %arg6: memref<1x5000xf32, #tpu.memory_space<hbm>>, %arg7: memref<1x5000xi32, #tpu.memory_space<hbm>>, %arg8: memref<2560xi32, #tpu.memory_space<vmem>>, %arg9: memref<640xi32, #tpu.memory_space<vmem>>, %arg10: memref<640xf32, #tpu.memory_space<vmem>>, %arg11: memref<42000xf32, #tpu.memory_space<vmem>>, %arg12: memref<2560xf32, #tpu.memory_space<vmem>>, %arg13: memref<2560xi32, #tpu.memory_space<vmem>>, %arg14: memref<40960xf32, #tpu.memory_space<vmem_shared>>, %arg15: memref<40960xi32, #tpu.memory_space<vmem_shared>>, %arg16: memref<2560xf32, #tpu.memory_space<vmem>>, %arg17: memref<2560xi32, #tpu.memory_space<vmem>>, %arg18: memref<160x4xf32, #tpu.memory_space<vmem>>, %arg19: memref<160xf32, #tpu.memory_space<vmem>>, %arg20: memref<160xi32, #tpu.memory_space<vmem>>, %arg21: memref<!tpu.dma_semaphore, #tpu.memory_space<semaphore_mem>>, %arg22: memref<!tpu.dma_semaphore, #tpu.memory_space<semaphore_mem>>, %arg23: memref<!tpu.dma_semaphore, #tpu.memory_space<semaphore_mem>>) attributes {dimension_semantics = [#tpu.dimension_semantics<core_parallel>, #tpu.dimension_semantics<subcore_parallel>], iteration_bounds = array<i64: 2, 16>, scalar_prefetch = 0 : i64, scratch_operands = 16 : i64, tpu.core_type = #tpu.core_type<sc_vector_subcore>, window_params = [{transform_indices = #map}, {transform_indices = #map}, {transform_indices = #map}, {transform_indices = #map1}, {transform_indices = #map2}, {transform_indices = #map2}]} {
    %iota3A = tpu.iota {dimensions = array<i32: 0>} : vector<16xi32>
    %mul3A = arith.constant 160 : i32
    %mul3A_0 = arith.muli %arg1, %mul3A : i32
    %mul3A_1 = arith.constant 2560 : i32
    %mul3A_2 = arith.muli %arg0, %mul3A_1 : i32
    %min3A = arith.constant 2440 : i32
    %min3A_3 = arith.minsi %mul3A_2, %min3A : i32
    %mul3A_4 = arith.constant 2560 : i32
    %mul3A_5 = arith.muli %arg0, %mul3A_4 : i32
    %sub3A = arith.subi %mul3A_5, %min3A_3 : i32
    %mul3A_6 = arith.constant 42000 : i32
    %mul3A_7 = arith.muli %arg1, %mul3A_6 : i32
    %dma_start3A = tpu.memref_slice %arg4[%mul3A_7] : memref<672000xf32, #tpu.memory_space<hbm>> -> memref<42000xf32, #tpu.memory_space<hbm>>
    %dma_start3A_8 = tpu.memref_slice %arg4[%mul3A_7] : memref<672000xf32, #tpu.memory_space<hbm>> -> memref<42000xf32, #tpu.memory_space<hbm>>
    tpu.enqueue_dma source(%dma_start3A_8 : memref<42000xf32, #tpu.memory_space<hbm>>) target(%arg11 : memref<42000xf32, #tpu.memory_space<vmem>>) target_semaphore(%arg21 : memref<!tpu.dma_semaphore, #tpu.memory_space<semaphore_mem>>)
    "tpu.region"() ({
      %run_scoped3A = tpu.sem_alloc : memref<!tpu.dma_semaphore, #tpu.memory_space<semaphore_mem>>
      %dma_start3A_486 = tpu.memref_slice %arg2[%min3A_3] : memref<5000xi32, #tpu.memory_space<hbm>> -> memref<2560xi32, #tpu.memory_space<hbm>>
      %dma_start3A_487 = tpu.memref_slice %arg2[%min3A_3] : memref<5000xi32, #tpu.memory_space<hbm>> -> memref<2560xi32, #tpu.memory_space<hbm>>
      tpu.enqueue_dma source(%dma_start3A_487 : memref<2560xi32, #tpu.memory_space<hbm>>) target(%arg8 : memref<2560xi32, #tpu.memory_space<vmem>>) target_semaphore(%run_scoped3A : memref<!tpu.dma_semaphore, #tpu.memory_space<semaphore_mem>>)
      %dma_wait3A_488 = tpu.memref_slice %arg2[%min3A_3] : memref<5000xi32, #tpu.memory_space<hbm>> -> memref<2560xi32, #tpu.memory_space<hbm>>
      %dma_wait3A_489 = tpu.memref_slice %arg2[%min3A_3] : memref<5000xi32, #tpu.memory_space<hbm>> -> memref<2560xi32, #tpu.memory_space<hbm>>
      tpu.wait_dma2 semaphore(%run_scoped3A : memref<!tpu.dma_semaphore, #tpu.memory_space<semaphore_mem>>) src(%dma_wait3A_489 : memref<2560xi32, #tpu.memory_space<hbm>>) dst(%arg8 : memref<2560xi32, #tpu.memory_space<vmem>>)
      tpu.yield
    }) : () -> ()
    %parallel_loop3A = arith.constant 0 : i32
    %parallel_loop3A_9 = arith.constant 10 : i32
    %parallel_loop3A_10 = arith.constant 1 : i32
    scf.for %parallel_loop3A_486 = %parallel_loop3A to %parallel_loop3A_9 step %parallel_loop3A_10  : i32 {
      %parallel_loop3A_487 = arith.constant 16 : i32
      %parallel_loop3A_488 = arith.muli %parallel_loop3A_486, %parallel_loop3A_487 : i32
      %parallel_loop3A_489 = arith.addi %mul3A_0, %parallel_loop3A_488 : i32
      %parallel_loop3A_490 = vector.broadcast %parallel_loop3A_489 : i32 to vector<16xi32>
      %parallel_loop3A_491 = arith.addi %iota3A, %parallel_loop3A_490 : vector<16xi32>
      %parallel_loop3A_492 = vector.broadcast %sub3A : i32 to vector<16xi32>
      %parallel_loop3A_493 = arith.addi %parallel_loop3A_491, %parallel_loop3A_492 : vector<16xi32>
      %parallel_loop3A_494 = arith.constant 2559 : i32
      %parallel_loop3A_495 = vector.broadcast %parallel_loop3A_494 : i32 to vector<16xi32>
      %parallel_loop3A_496 = arith.minsi %parallel_loop3A_493, %parallel_loop3A_495 : vector<16xi32>
      %parallel_loop3A_497 = tpu.vector_load_idx %arg8[%parallel_loop3A_496] : memref<2560xi32, #tpu.memory_space<vmem>>[vector<16xi32>], vector<16xi32>,
      %parallel_loop3A_498 = arith.constant 16 : i32
      %parallel_loop3A_499 = arith.muli %parallel_loop3A_486, %parallel_loop3A_498 : i32
      %parallel_loop3A_500 = vector.broadcast %parallel_loop3A_499 : i32 to vector<16xi32>
      %parallel_loop3A_501 = arith.addi %parallel_loop3A_500, %iota3A : vector<16xi32>
      %parallel_loop3A_502 = arith.constant 4 : i32
      %parallel_loop3A_503 = vector.broadcast %parallel_loop3A_502 : i32 to vector<16xi32>
      %parallel_loop3A_504 = arith.muli %parallel_loop3A_501, %parallel_loop3A_503 : vector<16xi32>
      tpu.vector_store_idx %arg9[%parallel_loop3A_504], %parallel_loop3A_497 : memref<640xi32, #tpu.memory_space<vmem>>[vector<16xi32>], vector<16xi32>,
      %parallel_loop3A_505 = arith.constant 1 : i32
      %parallel_loop3A_506 = vector.broadcast %parallel_loop3A_505 : i32 to vector<16xi32>
      %parallel_loop3A_507 = arith.addi %parallel_loop3A_504, %parallel_loop3A_506 : vector<16xi32>
      %parallel_loop3A_508 = arith.constant 8400 : i32
      %parallel_loop3A_509 = vector.broadcast %parallel_loop3A_508 : i32 to vector<16xi32>
      %parallel_loop3A_510 = arith.addi %parallel_loop3A_497, %parallel_loop3A_509 : vector<16xi32>
      tpu.vector_store_idx %arg9[%parallel_loop3A_507], %parallel_loop3A_510 : memref<640xi32, #tpu.memory_space<vmem>>[vector<16xi32>], vector<16xi32>,
      %parallel_loop3A_511 = arith.constant 2 : i32
      %parallel_loop3A_512 = vector.broadcast %parallel_loop3A_511 : i32 to vector<16xi32>
      %parallel_loop3A_513 = arith.addi %parallel_loop3A_504, %parallel_loop3A_512 : vector<16xi32>
      %parallel_loop3A_514 = arith.constant 16800 : i32
      %parallel_loop3A_515 = vector.broadcast %parallel_loop3A_514 : i32 to vector<16xi32>
      %parallel_loop3A_516 = arith.addi %parallel_loop3A_497, %parallel_loop3A_515 : vector<16xi32>
      tpu.vector_store_idx %arg9[%parallel_loop3A_513], %parallel_loop3A_516 : memref<640xi32, #tpu.memory_space<vmem>>[vector<16xi32>], vector<16xi32>,
      %parallel_loop3A_517 = arith.constant 3 : i32
      %parallel_loop3A_518 = vector.broadcast %parallel_loop3A_517 : i32 to vector<16xi32>
      %parallel_loop3A_519 = arith.addi %parallel_loop3A_504, %parallel_loop3A_518 : vector<16xi32>
      %parallel_loop3A_520 = arith.constant 25200 : i32
      %parallel_loop3A_521 = vector.broadcast %parallel_loop3A_520 : i32 to vector<16xi32>
      %parallel_loop3A_522 = arith.addi %parallel_loop3A_497, %parallel_loop3A_521 : vector<16xi32>
      tpu.vector_store_idx %arg9[%parallel_loop3A_519], %parallel_loop3A_522 : memref<640xi32, #tpu.memory_space<vmem>>[vector<16xi32>], vector<16xi32>,
    } {sc.loop_unroll_factor = 1 : i64, sc.parallel_access}
    %dma_start3A_11 = arith.constant 0 : i32
    %dma_start3A_12 = tpu.memref_slice %arg3[%dma_start3A_11] : memref<33600xf32, #tpu.memory_space<hbm>> -> memref<33600xf32, #tpu.memory_space<hbm>>
    tpu.enqueue_indirect_dma source(%dma_start3A_12 : memref<33600xf32, #tpu.memory_space<hbm>>) target(%arg10 : memref<640xf32, #tpu.memory_space<vmem>>) offsets(%arg9 : memref<640xi32, #tpu.memory_space<vmem>>) semaphore(%arg22 : memref<!tpu.dma_semaphore, #tpu.memory_space<semaphore_mem>>)
    %dma_wait3A = tpu.memref_slice %arg4[%mul3A_7] : memref<672000xf32, #tpu.memory_space<hbm>> -> memref<42000xf32, #tpu.memory_space<hbm>>
    %dma_wait3A_13 = tpu.memref_slice %arg4[%mul3A_7] : memref<672000xf32, #tpu.memory_space<hbm>> -> memref<42000xf32, #tpu.memory_space<hbm>>
    tpu.wait_dma2 semaphore(%arg21 : memref<!tpu.dma_semaphore, #tpu.memory_space<semaphore_mem>>) src(%dma_wait3A_13 : memref<42000xf32, #tpu.memory_space<hbm>>) dst(%arg11 : memref<42000xf32, #tpu.memory_space<vmem>>)
    %mul3A_14 = arith.constant 5 : i32
    %mul3A_15 = arith.muli %arg1, %mul3A_14 : i32
    %parallel_loop3A_16 = arith.constant 0 : i32
    %parallel_loop3A_17 = arith.constant 160 : i32
    %parallel_loop3A_18 = arith.constant 1 : i32
    scf.for %parallel_loop3A_486 = %parallel_loop3A_16 to %parallel_loop3A_17 step %parallel_loop3A_18  : i32 {
      %parallel_loop3A_487 = arith.constant 16 : i32
      %parallel_loop3A_488 = arith.muli %parallel_loop3A_486, %parallel_loop3A_487 : i32
      %parallel_loop3A_489 = vector.broadcast %parallel_loop3A_488 : i32 to vector<16xi32>
      %parallel_loop3A_490 = arith.addi %iota3A, %parallel_loop3A_489 : vector<16xi32>
      %parallel_loop3A_491 = vector.broadcast %sub3A : i32 to vector<16xi32>
      %parallel_loop3A_492 = arith.addi %parallel_loop3A_490, %parallel_loop3A_491 : vector<16xi32>
      %parallel_loop3A_493 = arith.constant 2559 : i32
      %parallel_loop3A_494 = vector.broadcast %parallel_loop3A_493 : i32 to vector<16xi32>
      %parallel_loop3A_495 = arith.minsi %parallel_loop3A_492, %parallel_loop3A_494 : vector<16xi32>
      %parallel_loop3A_496 = tpu.vector_load_idx %arg8[%parallel_loop3A_495] : memref<2560xi32, #tpu.memory_space<vmem>>[vector<16xi32>], vector<16xi32>,
      %parallel_loop3A_497 = tpu.vector_load_idx %arg11[%parallel_loop3A_496] : memref<42000xf32, #tpu.memory_space<vmem>>[vector<16xi32>], vector<16xf32>,
      %parallel_loop3A_498 = vector.broadcast %mul3A_15 : i32 to vector<16xi32>
      %parallel_loop3A_499 = arith.constant 8400 : i32
      %parallel_loop3A_500 = vector.broadcast %parallel_loop3A_499 : i32 to vector<16xi32>
      %parallel_loop3A_501 = arith.addi %parallel_loop3A_496, %parallel_loop3A_500 : vector<16xi32>
      %parallel_loop3A_502 = tpu.vector_load_idx %arg11[%parallel_loop3A_501] : memref<42000xf32, #tpu.memory_space<vmem>>[vector<16xi32>], vector<16xf32>,
      %parallel_loop3A_503 = arith.cmpf ogt, %parallel_loop3A_502, %parallel_loop3A_497 : vector<16xf32>
      %parallel_loop3A_504 = arith.select %parallel_loop3A_503, %parallel_loop3A_502, %parallel_loop3A_497 : vector<16xi1>, vector<16xf32>
      %parallel_loop3A_505 = arith.constant 1 : i32
      %parallel_loop3A_506 = arith.addi %mul3A_15, %parallel_loop3A_505 : i32
      %parallel_loop3A_507 = vector.broadcast %parallel_loop3A_506 : i32 to vector<16xi32>
      %parallel_loop3A_508 = arith.select %parallel_loop3A_503, %parallel_loop3A_507, %parallel_loop3A_498 : vector<16xi1>, vector<16xi32>
      %parallel_loop3A_509 = arith.constant 16800 : i32
      %parallel_loop3A_510 = vector.broadcast %parallel_loop3A_509 : i32 to vector<16xi32>
      %parallel_loop3A_511 = arith.addi %parallel_loop3A_496, %parallel_loop3A_510 : vector<16xi32>
      %parallel_loop3A_512 = tpu.vector_load_idx %arg11[%parallel_loop3A_511] : memref<42000xf32, #tpu.memory_space<vmem>>[vector<16xi32>], vector<16xf32>,
      %parallel_loop3A_513 = arith.cmpf ogt, %parallel_loop3A_512, %parallel_loop3A_504 : vector<16xf32>
      %parallel_loop3A_514 = arith.select %parallel_loop3A_513, %parallel_loop3A_512, %parallel_loop3A_504 : vector<16xi1>, vector<16xf32>
      %parallel_loop3A_515 = arith.constant 2 : i32
      %parallel_loop3A_516 = arith.addi %mul3A_15, %parallel_loop3A_515 : i32
      %parallel_loop3A_517 = vector.broadcast %parallel_loop3A_516 : i32 to vector<16xi32>
      %parallel_loop3A_518 = arith.select %parallel_loop3A_513, %parallel_loop3A_517, %parallel_loop3A_508 : vector<16xi1>, vector<16xi32>
      %parallel_loop3A_519 = arith.constant 25200 : i32
      %parallel_loop3A_520 = vector.broadcast %parallel_loop3A_519 : i32 to vector<16xi32>
      %parallel_loop3A_521 = arith.addi %parallel_loop3A_496, %parallel_loop3A_520 : vector<16xi32>
      %parallel_loop3A_522 = tpu.vector_load_idx %arg11[%parallel_loop3A_521] : memref<42000xf32, #tpu.memory_space<vmem>>[vector<16xi32>], vector<16xf32>,
      %parallel_loop3A_523 = arith.cmpf ogt, %parallel_loop3A_522, %parallel_loop3A_514 : vector<16xf32>
      %parallel_loop3A_524 = arith.select %parallel_loop3A_523, %parallel_loop3A_522, %parallel_loop3A_514 : vector<16xi1>, vector<16xf32>
      %parallel_loop3A_525 = arith.constant 3 : i32
      %parallel_loop3A_526 = arith.addi %mul3A_15, %parallel_loop3A_525 : i32
      %parallel_loop3A_527 = vector.broadcast %parallel_loop3A_526 : i32 to vector<16xi32>
      %parallel_loop3A_528 = arith.select %parallel_loop3A_523, %parallel_loop3A_527, %parallel_loop3A_518 : vector<16xi1>, vector<16xi32>
      %parallel_loop3A_529 = arith.constant 33600 : i32
      %parallel_loop3A_530 = vector.broadcast %parallel_loop3A_529 : i32 to vector<16xi32>
      %parallel_loop3A_531 = arith.addi %parallel_loop3A_496, %parallel_loop3A_530 : vector<16xi32>
      %parallel_loop3A_532 = tpu.vector_load_idx %arg11[%parallel_loop3A_531] : memref<42000xf32, #tpu.memory_space<vmem>>[vector<16xi32>], vector<16xf32>,
      %parallel_loop3A_533 = arith.cmpf ogt, %parallel_loop3A_532, %parallel_loop3A_524 : vector<16xf32>
      %parallel_loop3A_534 = arith.select %parallel_loop3A_533, %parallel_loop3A_532, %parallel_loop3A_524 : vector<16xi1>, vector<16xf32>
      %parallel_loop3A_535 = arith.constant 4 : i32
      %parallel_loop3A_536 = arith.addi %mul3A_15, %parallel_loop3A_535 : i32
      %parallel_loop3A_537 = vector.broadcast %parallel_loop3A_536 : i32 to vector<16xi32>
      %parallel_loop3A_538 = arith.select %parallel_loop3A_533, %parallel_loop3A_537, %parallel_loop3A_528 : vector<16xi1>, vector<16xi32>
      %parallel_loop3A_539 = arith.constant 16 : i32
      %parallel_loop3A_540 = arith.muli %parallel_loop3A_486, %parallel_loop3A_539 : i32
      %parallel_loop3A_541 = arith.index_cast %parallel_loop3A_540 : i32 to index
      %parallel_loop3A_542 = tpu.vector_load %arg12[%parallel_loop3A_541] {strides = array<i32>} : memref<2560xf32, #tpu.memory_space<vmem>>, vector<16xf32>,
      tpu.vector_store %arg12[%parallel_loop3A_541], %parallel_loop3A_534 {strides = array<i32>} : memref<2560xf32, #tpu.memory_space<vmem>>, vector<16xf32>,
      %parallel_loop3A_543 = arith.constant 16 : i32
      %parallel_loop3A_544 = arith.muli %parallel_loop3A_486, %parallel_loop3A_543 : i32
      %parallel_loop3A_545 = arith.index_cast %parallel_loop3A_544 : i32 to index
      %parallel_loop3A_546 = tpu.vector_load %arg13[%parallel_loop3A_545] {strides = array<i32>} : memref<2560xi32, #tpu.memory_space<vmem>>, vector<16xi32>,
      tpu.vector_store %arg13[%parallel_loop3A_545], %parallel_loop3A_538 {strides = array<i32>} : memref<2560xi32, #tpu.memory_space<vmem>>, vector<16xi32>,
    } {sc.loop_unroll_factor = 2 : i64, sc.parallel_access}
    %mul3A_19 = arith.constant 2560 : i32
    %mul3A_20 = arith.muli %arg1, %mul3A_19 : i32
    "tpu.region"() ({
      %run_scoped3A = tpu.sem_alloc : memref<!tpu.dma_semaphore, #tpu.memory_space<semaphore_mem>>
      %dma_start3A_486 = tpu.memref_slice %arg14[%mul3A_20] : memref<40960xf32, #tpu.memory_space<vmem_shared>> -> memref<2560xf32, #tpu.memory_space<vmem_shared>>
      %dma_start3A_487 = tpu.memref_slice %arg14[%mul3A_20] : memref<40960xf32, #tpu.memory_space<vmem_shared>> -> memref<2560xf32, #tpu.memory_space<vmem_shared>>
      tpu.enqueue_dma source(%arg12 : memref<2560xf32, #tpu.memory_space<vmem>>) target(%dma_start3A_487 : memref<2560xf32, #tpu.memory_space<vmem_shared>>) target_semaphore(%run_scoped3A : memref<!tpu.dma_semaphore, #tpu.memory_space<semaphore_mem>>)
      %dma_wait3A_488 = tpu.memref_slice %arg14[%mul3A_20] : memref<40960xf32, #tpu.memory_space<vmem_shared>> -> memref<2560xf32, #tpu.memory_space<vmem_shared>>
      %dma_wait3A_489 = tpu.memref_slice %arg14[%mul3A_20] : memref<40960xf32, #tpu.memory_space<vmem_shared>> -> memref<2560xf32, #tpu.memory_space<vmem_shared>>
      tpu.wait_dma2 semaphore(%run_scoped3A : memref<!tpu.dma_semaphore, #tpu.memory_space<semaphore_mem>>) src(%arg12 : memref<2560xf32, #tpu.memory_space<vmem>>) dst(%dma_wait3A_489 : memref<2560xf32, #tpu.memory_space<vmem_shared>>)
      tpu.yield
    }) : () -> ()
    %mul3A_21 = arith.constant 2560 : i32
    %mul3A_22 = arith.muli %arg1, %mul3A_21 : i32
    "tpu.region"() ({
      %run_scoped3A = tpu.sem_alloc : memref<!tpu.dma_semaphore, #tpu.memory_space<semaphore_mem>>
      %dma_start3A_486 = tpu.memref_slice %arg15[%mul3A_22] : memref<40960xi32, #tpu.memory_space<vmem_shared>> -> memref<2560xi32, #tpu.memory_space<vmem_shared>>
      %dma_start3A_487 = tpu.memref_slice %arg15[%mul3A_22] : memref<40960xi32, #tpu.memory_space<vmem_shared>> -> memref<2560xi32, #tpu.memory_space<vmem_shared>>
      tpu.enqueue_dma source(%arg13 : memref<2560xi32, #tpu.memory_space<vmem>>) target(%dma_start3A_487 : memref<2560xi32, #tpu.memory_space<vmem_shared>>) target_semaphore(%run_scoped3A : memref<!tpu.dma_semaphore, #tpu.memory_space<semaphore_mem>>)
      %dma_wait3A_488 = tpu.memref_slice %arg15[%mul3A_22] : memref<40960xi32, #tpu.memory_space<vmem_shared>> -> memref<2560xi32, #tpu.memory_space<vmem_shared>>
      %dma_wait3A_489 = tpu.memref_slice %arg15[%mul3A_22] : memref<40960xi32, #tpu.memory_space<vmem_shared>> -> memref<2560xi32, #tpu.memory_space<vmem_shared>>
      tpu.wait_dma2 semaphore(%run_scoped3A : memref<!tpu.dma_semaphore, #tpu.memory_space<semaphore_mem>>) src(%arg13 : memref<2560xi32, #tpu.memory_space<vmem>>) dst(%dma_wait3A_489 : memref<2560xi32, #tpu.memory_space<vmem_shared>>)
      tpu.yield
    }) : () -> ()
    %barrier3A = arith.constant 0 : index
    tpu.barrier barrier_id(%barrier3A)
    %add3A = arith.constant 0 : i32
    %add3A_23 = arith.addi %add3A, %mul3A_0 : i32
    %add3A_24 = arith.constant 0 : i32
    %add3A_25 = arith.addi %add3A_24, %mul3A_0 : i32
    %add3A_26 = arith.constant 2560 : i32
    %add3A_27 = arith.addi %add3A_26, %mul3A_0 : i32
    %add3A_28 = arith.constant 2560 : i32
    %add3A_29 = arith.addi %add3A_28, %mul3A_0 : i32
    %add3A_30 = arith.constant 5120 : i32
    %add3A_31 = arith.addi %add3A_30, %mul3A_0 : i32
    %add3A_32 = arith.constant 5120 : i32
    %add3A_33 = arith.addi %add3A_32, %mul3A_0 : i32
    %add3A_34 = arith.constant 7680 : i32
    %add3A_35 = arith.addi %add3A_34, %mul3A_0 : i32
    %add3A_36 = arith.constant 7680 : i32
    %add3A_37 = arith.addi %add3A_36, %mul3A_0 : i32
    %add3A_38 = arith.constant 10240 : i32
    %add3A_39 = arith.addi %add3A_38, %mul3A_0 : i32
    %add3A_40 = arith.constant 10240 : i32
    %add3A_41 = arith.addi %add3A_40, %mul3A_0 : i32
    %add3A_42 = arith.constant 12800 : i32
    %add3A_43 = arith.addi %add3A_42, %mul3A_0 : i32
    %add3A_44 = arith.constant 12800 : i32
    %add3A_45 = arith.addi %add3A_44, %mul3A_0 : i32
    %add3A_46 = arith.constant 15360 : i32
    %add3A_47 = arith.addi %add3A_46, %mul3A_0 : i32
    %add3A_48 = arith.constant 15360 : i32
    %add3A_49 = arith.addi %add3A_48, %mul3A_0 : i32
    %add3A_50 = arith.constant 17920 : i32
    %add3A_51 = arith.addi %add3A_50, %mul3A_0 : i32
    %add3A_52 = arith.constant 17920 : i32
    %add3A_53 = arith.addi %add3A_52, %mul3A_0 : i32
    %add3A_54 = arith.constant 20480 : i32
    %add3A_55 = arith.addi %add3A_54, %mul3A_0 : i32
    %add3A_56 = arith.constant 20480 : i32
    %add3A_57 = arith.addi %add3A_56, %mul3A_0 : i32
    %add3A_58 = arith.constant 23040 : i32
    %add3A_59 = arith.addi %add3A_58, %mul3A_0 : i32
    %add3A_60 = arith.constant 23040 : i32
    %add3A_61 = arith.addi %add3A_60, %mul3A_0 : i32
    %add3A_62 = arith.constant 25600 : i32
    %add3A_63 = arith.addi %add3A_62, %mul3A_0 : i32
    %add3A_64 = arith.constant 25600 : i32
    %add3A_65 = arith.addi %add3A_64, %mul3A_0 : i32
    %add3A_66 = arith.constant 28160 : i32
    %add3A_67 = arith.addi %add3A_66, %mul3A_0 : i32
    %add3A_68 = arith.constant 28160 : i32
    %add3A_69 = arith.addi %add3A_68, %mul3A_0 : i32
    %add3A_70 = arith.constant 30720 : i32
    %add3A_71 = arith.addi %add3A_70, %mul3A_0 : i32
    %add3A_72 = arith.constant 30720 : i32
    %add3A_73 = arith.addi %add3A_72, %mul3A_0 : i32
    %add3A_74 = arith.constant 33280 : i32
    %add3A_75 = arith.addi %add3A_74, %mul3A_0 : i32
    %add3A_76 = arith.constant 33280 : i32
    %add3A_77 = arith.addi %add3A_76, %mul3A_0 : i32
    %add3A_78 = arith.constant 35840 : i32
    %add3A_79 = arith.addi %add3A_78, %mul3A_0 : i32
    %add3A_80 = arith.constant 35840 : i32
    %add3A_81 = arith.addi %add3A_80, %mul3A_0 : i32
    %add3A_82 = arith.constant 38400 : i32
    %add3A_83 = arith.addi %add3A_82, %mul3A_0 : i32
    %add3A_84 = arith.constant 38400 : i32
    %add3A_85 = arith.addi %add3A_84, %mul3A_0 : i32
    %dma_start3A_86 = arith.constant 0 : i32
    %dma_start3A_87 = tpu.memref_slice %arg16[%dma_start3A_86] : memref<2560xf32, #tpu.memory_space<vmem>> -> memref<160xf32, #tpu.memory_space<vmem>>
    %dma_start3A_88 = tpu.memref_slice %arg14[%add3A_23] : memref<40960xf32, #tpu.memory_space<vmem_shared>> -> memref<160xf32, #tpu.memory_space<vmem_shared>>
    %dma_start3A_89 = arith.constant 0 : i32
    %dma_start3A_90 = tpu.memref_slice %arg16[%dma_start3A_89] : memref<2560xf32, #tpu.memory_space<vmem>> -> memref<160xf32, #tpu.memory_space<vmem>>
    %dma_start3A_91 = tpu.memref_slice %arg14[%add3A_23] : memref<40960xf32, #tpu.memory_space<vmem_shared>> -> memref<160xf32, #tpu.memory_space<vmem_shared>>
    tpu.enqueue_dma source(%dma_start3A_91 : memref<160xf32, #tpu.memory_space<vmem_shared>>) target(%dma_start3A_90 : memref<160xf32, #tpu.memory_space<vmem>>) target_semaphore(%arg23 : memref<!tpu.dma_semaphore, #tpu.memory_space<semaphore_mem>>)
    %dma_start3A_92 = arith.constant 0 : i32
    %dma_start3A_93 = tpu.memref_slice %arg17[%dma_start3A_92] : memref<2560xi32, #tpu.memory_space<vmem>> -> memref<160xi32, #tpu.memory_space<vmem>>
    %dma_start3A_94 = tpu.memref_slice %arg15[%add3A_25] : memref<40960xi32, #tpu.memory_space<vmem_shared>> -> memref<160xi32, #tpu.memory_space<vmem_shared>>
    %dma_start3A_95 = arith.constant 0 : i32
    %dma_start3A_96 = tpu.memref_slice %arg17[%dma_start3A_95] : memref<2560xi32, #tpu.memory_space<vmem>> -> memref<160xi32, #tpu.memory_space<vmem>>
    %dma_start3A_97 = tpu.memref_slice %arg15[%add3A_25] : memref<40960xi32, #tpu.memory_space<vmem_shared>> -> memref<160xi32, #tpu.memory_space<vmem_shared>>
    tpu.enqueue_dma source(%dma_start3A_97 : memref<160xi32, #tpu.memory_space<vmem_shared>>) target(%dma_start3A_96 : memref<160xi32, #tpu.memory_space<vmem>>) target_semaphore(%arg23 : memref<!tpu.dma_semaphore, #tpu.memory_space<semaphore_mem>>)
    %dma_start3A_98 = arith.constant 160 : i32
    %dma_start3A_99 = tpu.memref_slice %arg16[%dma_start3A_98] : memref<2560xf32, #tpu.memory_space<vmem>> -> memref<160xf32, #tpu.memory_space<vmem>>
    %dma_start3A_100 = tpu.memref_slice %arg14[%add3A_27] : memref<40960xf32, #tpu.memory_space<vmem_shared>> -> memref<160xf32, #tpu.memory_space<vmem_shared>>
    %dma_start3A_101 = arith.constant 160 : i32
    %dma_start3A_102 = tpu.memref_slice %arg16[%dma_start3A_101] : memref<2560xf32, #tpu.memory_space<vmem>> -> memref<160xf32, #tpu.memory_space<vmem>>
    %dma_start3A_103 = tpu.memref_slice %arg14[%add3A_27] : memref<40960xf32, #tpu.memory_space<vmem_shared>> -> memref<160xf32, #tpu.memory_space<vmem_shared>>
    tpu.enqueue_dma source(%dma_start3A_103 : memref<160xf32, #tpu.memory_space<vmem_shared>>) target(%dma_start3A_102 : memref<160xf32, #tpu.memory_space<vmem>>) target_semaphore(%arg23 : memref<!tpu.dma_semaphore, #tpu.memory_space<semaphore_mem>>)
    %dma_start3A_104 = arith.constant 160 : i32
    %dma_start3A_105 = tpu.memref_slice %arg17[%dma_start3A_104] : memref<2560xi32, #tpu.memory_space<vmem>> -> memref<160xi32, #tpu.memory_space<vmem>>
    %dma_start3A_106 = tpu.memref_slice %arg15[%add3A_29] : memref<40960xi32, #tpu.memory_space<vmem_shared>> -> memref<160xi32, #tpu.memory_space<vmem_shared>>
    %dma_start3A_107 = arith.constant 160 : i32
    %dma_start3A_108 = tpu.memref_slice %arg17[%dma_start3A_107] : memref<2560xi32, #tpu.memory_space<vmem>> -> memref<160xi32, #tpu.memory_space<vmem>>
    %dma_start3A_109 = tpu.memref_slice %arg15[%add3A_29] : memref<40960xi32, #tpu.memory_space<vmem_shared>> -> memref<160xi32, #tpu.memory_space<vmem_shared>>
    tpu.enqueue_dma source(%dma_start3A_109 : memref<160xi32, #tpu.memory_space<vmem_shared>>) target(%dma_start3A_108 : memref<160xi32, #tpu.memory_space<vmem>>) target_semaphore(%arg23 : memref<!tpu.dma_semaphore, #tpu.memory_space<semaphore_mem>>)
    %dma_start3A_110 = arith.constant 320 : i32
    %dma_start3A_111 = tpu.memref_slice %arg16[%dma_start3A_110] : memref<2560xf32, #tpu.memory_space<vmem>> -> memref<160xf32, #tpu.memory_space<vmem>>
    %dma_start3A_112 = tpu.memref_slice %arg14[%add3A_31] : memref<40960xf32, #tpu.memory_space<vmem_shared>> -> memref<160xf32, #tpu.memory_space<vmem_shared>>
    %dma_start3A_113 = arith.constant 320 : i32
    %dma_start3A_114 = tpu.memref_slice %arg16[%dma_start3A_113] : memref<2560xf32, #tpu.memory_space<vmem>> -> memref<160xf32, #tpu.memory_space<vmem>>
    %dma_start3A_115 = tpu.memref_slice %arg14[%add3A_31] : memref<40960xf32, #tpu.memory_space<vmem_shared>> -> memref<160xf32, #tpu.memory_space<vmem_shared>>
    tpu.enqueue_dma source(%dma_start3A_115 : memref<160xf32, #tpu.memory_space<vmem_shared>>) target(%dma_start3A_114 : memref<160xf32, #tpu.memory_space<vmem>>) target_semaphore(%arg23 : memref<!tpu.dma_semaphore, #tpu.memory_space<semaphore_mem>>)
    %dma_start3A_116 = arith.constant 320 : i32
    %dma_start3A_117 = tpu.memref_slice %arg17[%dma_start3A_116] : memref<2560xi32, #tpu.memory_space<vmem>> -> memref<160xi32, #tpu.memory_space<vmem>>
    %dma_start3A_118 = tpu.memref_slice %arg15[%add3A_33] : memref<40960xi32, #tpu.memory_space<vmem_shared>> -> memref<160xi32, #tpu.memory_space<vmem_shared>>
    %dma_start3A_119 = arith.constant 320 : i32
    %dma_start3A_120 = tpu.memref_slice %arg17[%dma_start3A_119] : memref<2560xi32, #tpu.memory_space<vmem>> -> memref<160xi32, #tpu.memory_space<vmem>>
    %dma_start3A_121 = tpu.memref_slice %arg15[%add3A_33] : memref<40960xi32, #tpu.memory_space<vmem_shared>> -> memref<160xi32, #tpu.memory_space<vmem_shared>>
    tpu.enqueue_dma source(%dma_start3A_121 : memref<160xi32, #tpu.memory_space<vmem_shared>>) target(%dma_start3A_120 : memref<160xi32, #tpu.memory_space<vmem>>) target_semaphore(%arg23 : memref<!tpu.dma_semaphore, #tpu.memory_space<semaphore_mem>>)
    %dma_start3A_122 = arith.constant 480 : i32
    %dma_start3A_123 = tpu.memref_slice %arg16[%dma_start3A_122] : memref<2560xf32, #tpu.memory_space<vmem>> -> memref<160xf32, #tpu.memory_space<vmem>>
    %dma_start3A_124 = tpu.memref_slice %arg14[%add3A_35] : memref<40960xf32, #tpu.memory_space<vmem_shared>> -> memref<160xf32, #tpu.memory_space<vmem_shared>>
    %dma_start3A_125 = arith.constant 480 : i32
    %dma_start3A_126 = tpu.memref_slice %arg16[%dma_start3A_125] : memref<2560xf32, #tpu.memory_space<vmem>> -> memref<160xf32, #tpu.memory_space<vmem>>
    %dma_start3A_127 = tpu.memref_slice %arg14[%add3A_35] : memref<40960xf32, #tpu.memory_space<vmem_shared>> -> memref<160xf32, #tpu.memory_space<vmem_shared>>
    tpu.enqueue_dma source(%dma_start3A_127 : memref<160xf32, #tpu.memory_space<vmem_shared>>) target(%dma_start3A_126 : memref<160xf32, #tpu.memory_space<vmem>>) target_semaphore(%arg23 : memref<!tpu.dma_semaphore, #tpu.memory_space<semaphore_mem>>)
    %dma_start3A_128 = arith.constant 480 : i32
    %dma_start3A_129 = tpu.memref_slice %arg17[%dma_start3A_128] : memref<2560xi32, #tpu.memory_space<vmem>> -> memref<160xi32, #tpu.memory_space<vmem>>
    %dma_start3A_130 = tpu.memref_slice %arg15[%add3A_37] : memref<40960xi32, #tpu.memory_space<vmem_shared>> -> memref<160xi32, #tpu.memory_space<vmem_shared>>
    %dma_start3A_131 = arith.constant 480 : i32
    %dma_start3A_132 = tpu.memref_slice %arg17[%dma_start3A_131] : memref<2560xi32, #tpu.memory_space<vmem>> -> memref<160xi32, #tpu.memory_space<vmem>>
    %dma_start3A_133 = tpu.memref_slice %arg15[%add3A_37] : memref<40960xi32, #tpu.memory_space<vmem_shared>> -> memref<160xi32, #tpu.memory_space<vmem_shared>>
    tpu.enqueue_dma source(%dma_start3A_133 : memref<160xi32, #tpu.memory_space<vmem_shared>>) target(%dma_start3A_132 : memref<160xi32, #tpu.memory_space<vmem>>) target_semaphore(%arg23 : memref<!tpu.dma_semaphore, #tpu.memory_space<semaphore_mem>>)
    %dma_start3A_134 = arith.constant 640 : i32
    %dma_start3A_135 = tpu.memref_slice %arg16[%dma_start3A_134] : memref<2560xf32, #tpu.memory_space<vmem>> -> memref<160xf32, #tpu.memory_space<vmem>>
    %dma_start3A_136 = tpu.memref_slice %arg14[%add3A_39] : memref<40960xf32, #tpu.memory_space<vmem_shared>> -> memref<160xf32, #tpu.memory_space<vmem_shared>>
    %dma_start3A_137 = arith.constant 640 : i32
    %dma_start3A_138 = tpu.memref_slice %arg16[%dma_start3A_137] : memref<2560xf32, #tpu.memory_space<vmem>> -> memref<160xf32, #tpu.memory_space<vmem>>
    %dma_start3A_139 = tpu.memref_slice %arg14[%add3A_39] : memref<40960xf32, #tpu.memory_space<vmem_shared>> -> memref<160xf32, #tpu.memory_space<vmem_shared>>
    tpu.enqueue_dma source(%dma_start3A_139 : memref<160xf32, #tpu.memory_space<vmem_shared>>) target(%dma_start3A_138 : memref<160xf32, #tpu.memory_space<vmem>>) target_semaphore(%arg23 : memref<!tpu.dma_semaphore, #tpu.memory_space<semaphore_mem>>)
    %dma_start3A_140 = arith.constant 640 : i32
    %dma_start3A_141 = tpu.memref_slice %arg17[%dma_start3A_140] : memref<2560xi32, #tpu.memory_space<vmem>> -> memref<160xi32, #tpu.memory_space<vmem>>
    %dma_start3A_142 = tpu.memref_slice %arg15[%add3A_41] : memref<40960xi32, #tpu.memory_space<vmem_shared>> -> memref<160xi32, #tpu.memory_space<vmem_shared>>
    %dma_start3A_143 = arith.constant 640 : i32
    %dma_start3A_144 = tpu.memref_slice %arg17[%dma_start3A_143] : memref<2560xi32, #tpu.memory_space<vmem>> -> memref<160xi32, #tpu.memory_space<vmem>>
    %dma_start3A_145 = tpu.memref_slice %arg15[%add3A_41] : memref<40960xi32, #tpu.memory_space<vmem_shared>> -> memref<160xi32, #tpu.memory_space<vmem_shared>>
    tpu.enqueue_dma source(%dma_start3A_145 : memref<160xi32, #tpu.memory_space<vmem_shared>>) target(%dma_start3A_144 : memref<160xi32, #tpu.memory_space<vmem>>) target_semaphore(%arg23 : memref<!tpu.dma_semaphore, #tpu.memory_space<semaphore_mem>>)
    %dma_start3A_146 = arith.constant 800 : i32
    %dma_start3A_147 = tpu.memref_slice %arg16[%dma_start3A_146] : memref<2560xf32, #tpu.memory_space<vmem>> -> memref<160xf32, #tpu.memory_space<vmem>>
    %dma_start3A_148 = tpu.memref_slice %arg14[%add3A_43] : memref<40960xf32, #tpu.memory_space<vmem_shared>> -> memref<160xf32, #tpu.memory_space<vmem_shared>>
    %dma_start3A_149 = arith.constant 800 : i32
    %dma_start3A_150 = tpu.memref_slice %arg16[%dma_start3A_149] : memref<2560xf32, #tpu.memory_space<vmem>> -> memref<160xf32, #tpu.memory_space<vmem>>
    %dma_start3A_151 = tpu.memref_slice %arg14[%add3A_43] : memref<40960xf32, #tpu.memory_space<vmem_shared>> -> memref<160xf32, #tpu.memory_space<vmem_shared>>
    tpu.enqueue_dma source(%dma_start3A_151 : memref<160xf32, #tpu.memory_space<vmem_shared>>) target(%dma_start3A_150 : memref<160xf32, #tpu.memory_space<vmem>>) target_semaphore(%arg23 : memref<!tpu.dma_semaphore, #tpu.memory_space<semaphore_mem>>)
    %dma_start3A_152 = arith.constant 800 : i32
    %dma_start3A_153 = tpu.memref_slice %arg17[%dma_start3A_152] : memref<2560xi32, #tpu.memory_space<vmem>> -> memref<160xi32, #tpu.memory_space<vmem>>
    %dma_start3A_154 = tpu.memref_slice %arg15[%add3A_45] : memref<40960xi32, #tpu.memory_space<vmem_shared>> -> memref<160xi32, #tpu.memory_space<vmem_shared>>
    %dma_start3A_155 = arith.constant 800 : i32
    %dma_start3A_156 = tpu.memref_slice %arg17[%dma_start3A_155] : memref<2560xi32, #tpu.memory_space<vmem>> -> memref<160xi32, #tpu.memory_space<vmem>>
    %dma_start3A_157 = tpu.memref_slice %arg15[%add3A_45] : memref<40960xi32, #tpu.memory_space<vmem_shared>> -> memref<160xi32, #tpu.memory_space<vmem_shared>>
    tpu.enqueue_dma source(%dma_start3A_157 : memref<160xi32, #tpu.memory_space<vmem_shared>>) target(%dma_start3A_156 : memref<160xi32, #tpu.memory_space<vmem>>) target_semaphore(%arg23 : memref<!tpu.dma_semaphore, #tpu.memory_space<semaphore_mem>>)
    %dma_start3A_158 = arith.constant 960 : i32
    %dma_start3A_159 = tpu.memref_slice %arg16[%dma_start3A_158] : memref<2560xf32, #tpu.memory_space<vmem>> -> memref<160xf32, #tpu.memory_space<vmem>>
    %dma_start3A_160 = tpu.memref_slice %arg14[%add3A_47] : memref<40960xf32, #tpu.memory_space<vmem_shared>> -> memref<160xf32, #tpu.memory_space<vmem_shared>>
    %dma_start3A_161 = arith.constant 960 : i32
    %dma_start3A_162 = tpu.memref_slice %arg16[%dma_start3A_161] : memref<2560xf32, #tpu.memory_space<vmem>> -> memref<160xf32, #tpu.memory_space<vmem>>
    %dma_start3A_163 = tpu.memref_slice %arg14[%add3A_47] : memref<40960xf32, #tpu.memory_space<vmem_shared>> -> memref<160xf32, #tpu.memory_space<vmem_shared>>
    tpu.enqueue_dma source(%dma_start3A_163 : memref<160xf32, #tpu.memory_space<vmem_shared>>) target(%dma_start3A_162 : memref<160xf32, #tpu.memory_space<vmem>>) target_semaphore(%arg23 : memref<!tpu.dma_semaphore, #tpu.memory_space<semaphore_mem>>)
    %dma_start3A_164 = arith.constant 960 : i32
    %dma_start3A_165 = tpu.memref_slice %arg17[%dma_start3A_164] : memref<2560xi32, #tpu.memory_space<vmem>> -> memref<160xi32, #tpu.memory_space<vmem>>
    %dma_start3A_166 = tpu.memref_slice %arg15[%add3A_49] : memref<40960xi32, #tpu.memory_space<vmem_shared>> -> memref<160xi32, #tpu.memory_space<vmem_shared>>
    %dma_start3A_167 = arith.constant 960 : i32
    %dma_start3A_168 = tpu.memref_slice %arg17[%dma_start3A_167] : memref<2560xi32, #tpu.memory_space<vmem>> -> memref<160xi32, #tpu.memory_space<vmem>>
    %dma_start3A_169 = tpu.memref_slice %arg15[%add3A_49] : memref<40960xi32, #tpu.memory_space<vmem_shared>> -> memref<160xi32, #tpu.memory_space<vmem_shared>>
    tpu.enqueue_dma source(%dma_start3A_169 : memref<160xi32, #tpu.memory_space<vmem_shared>>) target(%dma_start3A_168 : memref<160xi32, #tpu.memory_space<vmem>>) target_semaphore(%arg23 : memref<!tpu.dma_semaphore, #tpu.memory_space<semaphore_mem>>)
    %dma_start3A_170 = arith.constant 1120 : i32
    %dma_start3A_171 = tpu.memref_slice %arg16[%dma_start3A_170] : memref<2560xf32, #tpu.memory_space<vmem>> -> memref<160xf32, #tpu.memory_space<vmem>>
    %dma_start3A_172 = tpu.memref_slice %arg14[%add3A_51] : memref<40960xf32, #tpu.memory_space<vmem_shared>> -> memref<160xf32, #tpu.memory_space<vmem_shared>>
    %dma_start3A_173 = arith.constant 1120 : i32
    %dma_start3A_174 = tpu.memref_slice %arg16[%dma_start3A_173] : memref<2560xf32, #tpu.memory_space<vmem>> -> memref<160xf32, #tpu.memory_space<vmem>>
    %dma_start3A_175 = tpu.memref_slice %arg14[%add3A_51] : memref<40960xf32, #tpu.memory_space<vmem_shared>> -> memref<160xf32, #tpu.memory_space<vmem_shared>>
    tpu.enqueue_dma source(%dma_start3A_175 : memref<160xf32, #tpu.memory_space<vmem_shared>>) target(%dma_start3A_174 : memref<160xf32, #tpu.memory_space<vmem>>) target_semaphore(%arg23 : memref<!tpu.dma_semaphore, #tpu.memory_space<semaphore_mem>>)
    %dma_start3A_176 = arith.constant 1120 : i32
    %dma_start3A_177 = tpu.memref_slice %arg17[%dma_start3A_176] : memref<2560xi32, #tpu.memory_space<vmem>> -> memref<160xi32, #tpu.memory_space<vmem>>
    %dma_start3A_178 = tpu.memref_slice %arg15[%add3A_53] : memref<40960xi32, #tpu.memory_space<vmem_shared>> -> memref<160xi32, #tpu.memory_space<vmem_shared>>
    %dma_start3A_179 = arith.constant 1120 : i32
    %dma_start3A_180 = tpu.memref_slice %arg17[%dma_start3A_179] : memref<2560xi32, #tpu.memory_space<vmem>> -> memref<160xi32, #tpu.memory_space<vmem>>
    %dma_start3A_181 = tpu.memref_slice %arg15[%add3A_53] : memref<40960xi32, #tpu.memory_space<vmem_shared>> -> memref<160xi32, #tpu.memory_space<vmem_shared>>
    tpu.enqueue_dma source(%dma_start3A_181 : memref<160xi32, #tpu.memory_space<vmem_shared>>) target(%dma_start3A_180 : memref<160xi32, #tpu.memory_space<vmem>>) target_semaphore(%arg23 : memref<!tpu.dma_semaphore, #tpu.memory_space<semaphore_mem>>)
    %dma_start3A_182 = arith.constant 1280 : i32
    %dma_start3A_183 = tpu.memref_slice %arg16[%dma_start3A_182] : memref<2560xf32, #tpu.memory_space<vmem>> -> memref<160xf32, #tpu.memory_space<vmem>>
    %dma_start3A_184 = tpu.memref_slice %arg14[%add3A_55] : memref<40960xf32, #tpu.memory_space<vmem_shared>> -> memref<160xf32, #tpu.memory_space<vmem_shared>>
    %dma_start3A_185 = arith.constant 1280 : i32
    %dma_start3A_186 = tpu.memref_slice %arg16[%dma_start3A_185] : memref<2560xf32, #tpu.memory_space<vmem>> -> memref<160xf32, #tpu.memory_space<vmem>>
    %dma_start3A_187 = tpu.memref_slice %arg14[%add3A_55] : memref<40960xf32, #tpu.memory_space<vmem_shared>> -> memref<160xf32, #tpu.memory_space<vmem_shared>>
    tpu.enqueue_dma source(%dma_start3A_187 : memref<160xf32, #tpu.memory_space<vmem_shared>>) target(%dma_start3A_186 : memref<160xf32, #tpu.memory_space<vmem>>) target_semaphore(%arg23 : memref<!tpu.dma_semaphore, #tpu.memory_space<semaphore_mem>>)
    %dma_start3A_188 = arith.constant 1280 : i32
    %dma_start3A_189 = tpu.memref_slice %arg17[%dma_start3A_188] : memref<2560xi32, #tpu.memory_space<vmem>> -> memref<160xi32, #tpu.memory_space<vmem>>
    %dma_start3A_190 = tpu.memref_slice %arg15[%add3A_57] : memref<40960xi32, #tpu.memory_space<vmem_shared>> -> memref<160xi32, #tpu.memory_space<vmem_shared>>
    %dma_start3A_191 = arith.constant 1280 : i32
    %dma_start3A_192 = tpu.memref_slice %arg17[%dma_start3A_191] : memref<2560xi32, #tpu.memory_space<vmem>> -> memref<160xi32, #tpu.memory_space<vmem>>
    %dma_start3A_193 = tpu.memref_slice %arg15[%add3A_57] : memref<40960xi32, #tpu.memory_space<vmem_shared>> -> memref<160xi32, #tpu.memory_space<vmem_shared>>
    tpu.enqueue_dma source(%dma_start3A_193 : memref<160xi32, #tpu.memory_space<vmem_shared>>) target(%dma_start3A_192 : memref<160xi32, #tpu.memory_space<vmem>>) target_semaphore(%arg23 : memref<!tpu.dma_semaphore, #tpu.memory_space<semaphore_mem>>)
    %dma_start3A_194 = arith.constant 1440 : i32
    %dma_start3A_195 = tpu.memref_slice %arg16[%dma_start3A_194] : memref<2560xf32, #tpu.memory_space<vmem>> -> memref<160xf32, #tpu.memory_space<vmem>>
    %dma_start3A_196 = tpu.memref_slice %arg14[%add3A_59] : memref<40960xf32, #tpu.memory_space<vmem_shared>> -> memref<160xf32, #tpu.memory_space<vmem_shared>>
    %dma_start3A_197 = arith.constant 1440 : i32
    %dma_start3A_198 = tpu.memref_slice %arg16[%dma_start3A_197] : memref<2560xf32, #tpu.memory_space<vmem>> -> memref<160xf32, #tpu.memory_space<vmem>>
    %dma_start3A_199 = tpu.memref_slice %arg14[%add3A_59] : memref<40960xf32, #tpu.memory_space<vmem_shared>> -> memref<160xf32, #tpu.memory_space<vmem_shared>>
    tpu.enqueue_dma source(%dma_start3A_199 : memref<160xf32, #tpu.memory_space<vmem_shared>>) target(%dma_start3A_198 : memref<160xf32, #tpu.memory_space<vmem>>) target_semaphore(%arg23 : memref<!tpu.dma_semaphore, #tpu.memory_space<semaphore_mem>>)
    %dma_start3A_200 = arith.constant 1440 : i32
    %dma_start3A_201 = tpu.memref_slice %arg17[%dma_start3A_200] : memref<2560xi32, #tpu.memory_space<vmem>> -> memref<160xi32, #tpu.memory_space<vmem>>
    %dma_start3A_202 = tpu.memref_slice %arg15[%add3A_61] : memref<40960xi32, #tpu.memory_space<vmem_shared>> -> memref<160xi32, #tpu.memory_space<vmem_shared>>
    %dma_start3A_203 = arith.constant 1440 : i32
    %dma_start3A_204 = tpu.memref_slice %arg17[%dma_start3A_203] : memref<2560xi32, #tpu.memory_space<vmem>> -> memref<160xi32, #tpu.memory_space<vmem>>
    %dma_start3A_205 = tpu.memref_slice %arg15[%add3A_61] : memref<40960xi32, #tpu.memory_space<vmem_shared>> -> memref<160xi32, #tpu.memory_space<vmem_shared>>
    tpu.enqueue_dma source(%dma_start3A_205 : memref<160xi32, #tpu.memory_space<vmem_shared>>) target(%dma_start3A_204 : memref<160xi32, #tpu.memory_space<vmem>>) target_semaphore(%arg23 : memref<!tpu.dma_semaphore, #tpu.memory_space<semaphore_mem>>)
    %dma_start3A_206 = arith.constant 1600 : i32
    %dma_start3A_207 = tpu.memref_slice %arg16[%dma_start3A_206] : memref<2560xf32, #tpu.memory_space<vmem>> -> memref<160xf32, #tpu.memory_space<vmem>>
    %dma_start3A_208 = tpu.memref_slice %arg14[%add3A_63] : memref<40960xf32, #tpu.memory_space<vmem_shared>> -> memref<160xf32, #tpu.memory_space<vmem_shared>>
    %dma_start3A_209 = arith.constant 1600 : i32
    %dma_start3A_210 = tpu.memref_slice %arg16[%dma_start3A_209] : memref<2560xf32, #tpu.memory_space<vmem>> -> memref<160xf32, #tpu.memory_space<vmem>>
    %dma_start3A_211 = tpu.memref_slice %arg14[%add3A_63] : memref<40960xf32, #tpu.memory_space<vmem_shared>> -> memref<160xf32, #tpu.memory_space<vmem_shared>>
    tpu.enqueue_dma source(%dma_start3A_211 : memref<160xf32, #tpu.memory_space<vmem_shared>>) target(%dma_start3A_210 : memref<160xf32, #tpu.memory_space<vmem>>) target_semaphore(%arg23 : memref<!tpu.dma_semaphore, #tpu.memory_space<semaphore_mem>>)
    %dma_start3A_212 = arith.constant 1600 : i32
    %dma_start3A_213 = tpu.memref_slice %arg17[%dma_start3A_212] : memref<2560xi32, #tpu.memory_space<vmem>> -> memref<160xi32, #tpu.memory_space<vmem>>
    %dma_start3A_214 = tpu.memref_slice %arg15[%add3A_65] : memref<40960xi32, #tpu.memory_space<vmem_shared>> -> memref<160xi32, #tpu.memory_space<vmem_shared>>
    %dma_start3A_215 = arith.constant 1600 : i32
    %dma_start3A_216 = tpu.memref_slice %arg17[%dma_start3A_215] : memref<2560xi32, #tpu.memory_space<vmem>> -> memref<160xi32, #tpu.memory_space<vmem>>
    %dma_start3A_217 = tpu.memref_slice %arg15[%add3A_65] : memref<40960xi32, #tpu.memory_space<vmem_shared>> -> memref<160xi32, #tpu.memory_space<vmem_shared>>
    tpu.enqueue_dma source(%dma_start3A_217 : memref<160xi32, #tpu.memory_space<vmem_shared>>) target(%dma_start3A_216 : memref<160xi32, #tpu.memory_space<vmem>>) target_semaphore(%arg23 : memref<!tpu.dma_semaphore, #tpu.memory_space<semaphore_mem>>)
    %dma_start3A_218 = arith.constant 1760 : i32
    %dma_start3A_219 = tpu.memref_slice %arg16[%dma_start3A_218] : memref<2560xf32, #tpu.memory_space<vmem>> -> memref<160xf32, #tpu.memory_space<vmem>>
    %dma_start3A_220 = tpu.memref_slice %arg14[%add3A_67] : memref<40960xf32, #tpu.memory_space<vmem_shared>> -> memref<160xf32, #tpu.memory_space<vmem_shared>>
    %dma_start3A_221 = arith.constant 1760 : i32
    %dma_start3A_222 = tpu.memref_slice %arg16[%dma_start3A_221] : memref<2560xf32, #tpu.memory_space<vmem>> -> memref<160xf32, #tpu.memory_space<vmem>>
    %dma_start3A_223 = tpu.memref_slice %arg14[%add3A_67] : memref<40960xf32, #tpu.memory_space<vmem_shared>> -> memref<160xf32, #tpu.memory_space<vmem_shared>>
    tpu.enqueue_dma source(%dma_start3A_223 : memref<160xf32, #tpu.memory_space<vmem_shared>>) target(%dma_start3A_222 : memref<160xf32, #tpu.memory_space<vmem>>) target_semaphore(%arg23 : memref<!tpu.dma_semaphore, #tpu.memory_space<semaphore_mem>>)
    %dma_start3A_224 = arith.constant 1760 : i32
    %dma_start3A_225 = tpu.memref_slice %arg17[%dma_start3A_224] : memref<2560xi32, #tpu.memory_space<vmem>> -> memref<160xi32, #tpu.memory_space<vmem>>
    %dma_start3A_226 = tpu.memref_slice %arg15[%add3A_69] : memref<40960xi32, #tpu.memory_space<vmem_shared>> -> memref<160xi32, #tpu.memory_space<vmem_shared>>
    %dma_start3A_227 = arith.constant 1760 : i32
    %dma_start3A_228 = tpu.memref_slice %arg17[%dma_start3A_227] : memref<2560xi32, #tpu.memory_space<vmem>> -> memref<160xi32, #tpu.memory_space<vmem>>
    %dma_start3A_229 = tpu.memref_slice %arg15[%add3A_69] : memref<40960xi32, #tpu.memory_space<vmem_shared>> -> memref<160xi32, #tpu.memory_space<vmem_shared>>
    tpu.enqueue_dma source(%dma_start3A_229 : memref<160xi32, #tpu.memory_space<vmem_shared>>) target(%dma_start3A_228 : memref<160xi32, #tpu.memory_space<vmem>>) target_semaphore(%arg23 : memref<!tpu.dma_semaphore, #tpu.memory_space<semaphore_mem>>)
    %dma_start3A_230 = arith.constant 1920 : i32
    %dma_start3A_231 = tpu.memref_slice %arg16[%dma_start3A_230] : memref<2560xf32, #tpu.memory_space<vmem>> -> memref<160xf32, #tpu.memory_space<vmem>>
    %dma_start3A_232 = tpu.memref_slice %arg14[%add3A_71] : memref<40960xf32, #tpu.memory_space<vmem_shared>> -> memref<160xf32, #tpu.memory_space<vmem_shared>>
    %dma_start3A_233 = arith.constant 1920 : i32
    %dma_start3A_234 = tpu.memref_slice %arg16[%dma_start3A_233] : memref<2560xf32, #tpu.memory_space<vmem>> -> memref<160xf32, #tpu.memory_space<vmem>>
    %dma_start3A_235 = tpu.memref_slice %arg14[%add3A_71] : memref<40960xf32, #tpu.memory_space<vmem_shared>> -> memref<160xf32, #tpu.memory_space<vmem_shared>>
    tpu.enqueue_dma source(%dma_start3A_235 : memref<160xf32, #tpu.memory_space<vmem_shared>>) target(%dma_start3A_234 : memref<160xf32, #tpu.memory_space<vmem>>) target_semaphore(%arg23 : memref<!tpu.dma_semaphore, #tpu.memory_space<semaphore_mem>>)
    %dma_start3A_236 = arith.constant 1920 : i32
    %dma_start3A_237 = tpu.memref_slice %arg17[%dma_start3A_236] : memref<2560xi32, #tpu.memory_space<vmem>> -> memref<160xi32, #tpu.memory_space<vmem>>
    %dma_start3A_238 = tpu.memref_slice %arg15[%add3A_73] : memref<40960xi32, #tpu.memory_space<vmem_shared>> -> memref<160xi32, #tpu.memory_space<vmem_shared>>
    %dma_start3A_239 = arith.constant 1920 : i32
    %dma_start3A_240 = tpu.memref_slice %arg17[%dma_start3A_239] : memref<2560xi32, #tpu.memory_space<vmem>> -> memref<160xi32, #tpu.memory_space<vmem>>
    %dma_start3A_241 = tpu.memref_slice %arg15[%add3A_73] : memref<40960xi32, #tpu.memory_space<vmem_shared>> -> memref<160xi32, #tpu.memory_space<vmem_shared>>
    tpu.enqueue_dma source(%dma_start3A_241 : memref<160xi32, #tpu.memory_space<vmem_shared>>) target(%dma_start3A_240 : memref<160xi32, #tpu.memory_space<vmem>>) target_semaphore(%arg23 : memref<!tpu.dma_semaphore, #tpu.memory_space<semaphore_mem>>)
    %dma_start3A_242 = arith.constant 2080 : i32
    %dma_start3A_243 = tpu.memref_slice %arg16[%dma_start3A_242] : memref<2560xf32, #tpu.memory_space<vmem>> -> memref<160xf32, #tpu.memory_space<vmem>>
    %dma_start3A_244 = tpu.memref_slice %arg14[%add3A_75] : memref<40960xf32, #tpu.memory_space<vmem_shared>> -> memref<160xf32, #tpu.memory_space<vmem_shared>>
    %dma_start3A_245 = arith.constant 2080 : i32
    %dma_start3A_246 = tpu.memref_slice %arg16[%dma_start3A_245] : memref<2560xf32, #tpu.memory_space<vmem>> -> memref<160xf32, #tpu.memory_space<vmem>>
    %dma_start3A_247 = tpu.memref_slice %arg14[%add3A_75] : memref<40960xf32, #tpu.memory_space<vmem_shared>> -> memref<160xf32, #tpu.memory_space<vmem_shared>>
    tpu.enqueue_dma source(%dma_start3A_247 : memref<160xf32, #tpu.memory_space<vmem_shared>>) target(%dma_start3A_246 : memref<160xf32, #tpu.memory_space<vmem>>) target_semaphore(%arg23 : memref<!tpu.dma_semaphore, #tpu.memory_space<semaphore_mem>>)
    %dma_start3A_248 = arith.constant 2080 : i32
    %dma_start3A_249 = tpu.memref_slice %arg17[%dma_start3A_248] : memref<2560xi32, #tpu.memory_space<vmem>> -> memref<160xi32, #tpu.memory_space<vmem>>
    %dma_start3A_250 = tpu.memref_slice %arg15[%add3A_77] : memref<40960xi32, #tpu.memory_space<vmem_shared>> -> memref<160xi32, #tpu.memory_space<vmem_shared>>
    %dma_start3A_251 = arith.constant 2080 : i32
    %dma_start3A_252 = tpu.memref_slice %arg17[%dma_start3A_251] : memref<2560xi32, #tpu.memory_space<vmem>> -> memref<160xi32, #tpu.memory_space<vmem>>
    %dma_start3A_253 = tpu.memref_slice %arg15[%add3A_77] : memref<40960xi32, #tpu.memory_space<vmem_shared>> -> memref<160xi32, #tpu.memory_space<vmem_shared>>
    tpu.enqueue_dma source(%dma_start3A_253 : memref<160xi32, #tpu.memory_space<vmem_shared>>) target(%dma_start3A_252 : memref<160xi32, #tpu.memory_space<vmem>>) target_semaphore(%arg23 : memref<!tpu.dma_semaphore, #tpu.memory_space<semaphore_mem>>)
    %dma_start3A_254 = arith.constant 2240 : i32
    %dma_start3A_255 = tpu.memref_slice %arg16[%dma_start3A_254] : memref<2560xf32, #tpu.memory_space<vmem>> -> memref<160xf32, #tpu.memory_space<vmem>>
    %dma_start3A_256 = tpu.memref_slice %arg14[%add3A_79] : memref<40960xf32, #tpu.memory_space<vmem_shared>> -> memref<160xf32, #tpu.memory_space<vmem_shared>>
    %dma_start3A_257 = arith.constant 2240 : i32
    %dma_start3A_258 = tpu.memref_slice %arg16[%dma_start3A_257] : memref<2560xf32, #tpu.memory_space<vmem>> -> memref<160xf32, #tpu.memory_space<vmem>>
    %dma_start3A_259 = tpu.memref_slice %arg14[%add3A_79] : memref<40960xf32, #tpu.memory_space<vmem_shared>> -> memref<160xf32, #tpu.memory_space<vmem_shared>>
    tpu.enqueue_dma source(%dma_start3A_259 : memref<160xf32, #tpu.memory_space<vmem_shared>>) target(%dma_start3A_258 : memref<160xf32, #tpu.memory_space<vmem>>) target_semaphore(%arg23 : memref<!tpu.dma_semaphore, #tpu.memory_space<semaphore_mem>>)
    %dma_start3A_260 = arith.constant 2240 : i32
    %dma_start3A_261 = tpu.memref_slice %arg17[%dma_start3A_260] : memref<2560xi32, #tpu.memory_space<vmem>> -> memref<160xi32, #tpu.memory_space<vmem>>
    %dma_start3A_262 = tpu.memref_slice %arg15[%add3A_81] : memref<40960xi32, #tpu.memory_space<vmem_shared>> -> memref<160xi32, #tpu.memory_space<vmem_shared>>
    %dma_start3A_263 = arith.constant 2240 : i32
    %dma_start3A_264 = tpu.memref_slice %arg17[%dma_start3A_263] : memref<2560xi32, #tpu.memory_space<vmem>> -> memref<160xi32, #tpu.memory_space<vmem>>
    %dma_start3A_265 = tpu.memref_slice %arg15[%add3A_81] : memref<40960xi32, #tpu.memory_space<vmem_shared>> -> memref<160xi32, #tpu.memory_space<vmem_shared>>
    tpu.enqueue_dma source(%dma_start3A_265 : memref<160xi32, #tpu.memory_space<vmem_shared>>) target(%dma_start3A_264 : memref<160xi32, #tpu.memory_space<vmem>>) target_semaphore(%arg23 : memref<!tpu.dma_semaphore, #tpu.memory_space<semaphore_mem>>)
    %dma_start3A_266 = arith.constant 2400 : i32
    %dma_start3A_267 = tpu.memref_slice %arg16[%dma_start3A_266] : memref<2560xf32, #tpu.memory_space<vmem>> -> memref<160xf32, #tpu.memory_space<vmem>>
    %dma_start3A_268 = tpu.memref_slice %arg14[%add3A_83] : memref<40960xf32, #tpu.memory_space<vmem_shared>> -> memref<160xf32, #tpu.memory_space<vmem_shared>>
    %dma_start3A_269 = arith.constant 2400 : i32
    %dma_start3A_270 = tpu.memref_slice %arg16[%dma_start3A_269] : memref<2560xf32, #tpu.memory_space<vmem>> -> memref<160xf32, #tpu.memory_space<vmem>>
    %dma_start3A_271 = tpu.memref_slice %arg14[%add3A_83] : memref<40960xf32, #tpu.memory_space<vmem_shared>> -> memref<160xf32, #tpu.memory_space<vmem_shared>>
    tpu.enqueue_dma source(%dma_start3A_271 : memref<160xf32, #tpu.memory_space<vmem_shared>>) target(%dma_start3A_270 : memref<160xf32, #tpu.memory_space<vmem>>) target_semaphore(%arg23 : memref<!tpu.dma_semaphore, #tpu.memory_space<semaphore_mem>>)
    %dma_start3A_272 = arith.constant 2400 : i32
    %dma_start3A_273 = tpu.memref_slice %arg17[%dma_start3A_272] : memref<2560xi32, #tpu.memory_space<vmem>> -> memref<160xi32, #tpu.memory_space<vmem>>
    %dma_start3A_274 = tpu.memref_slice %arg15[%add3A_85] : memref<40960xi32, #tpu.memory_space<vmem_shared>> -> memref<160xi32, #tpu.memory_space<vmem_shared>>
    %dma_start3A_275 = arith.constant 2400 : i32
    %dma_start3A_276 = tpu.memref_slice %arg17[%dma_start3A_275] : memref<2560xi32, #tpu.memory_space<vmem>> -> memref<160xi32, #tpu.memory_space<vmem>>
    %dma_start3A_277 = tpu.memref_slice %arg15[%add3A_85] : memref<40960xi32, #tpu.memory_space<vmem_shared>> -> memref<160xi32, #tpu.memory_space<vmem_shared>>
    tpu.enqueue_dma source(%dma_start3A_277 : memref<160xi32, #tpu.memory_space<vmem_shared>>) target(%dma_start3A_276 : memref<160xi32, #tpu.memory_space<vmem>>) target_semaphore(%arg23 : memref<!tpu.dma_semaphore, #tpu.memory_space<semaphore_mem>>)
    %dma_wait3A_278 = arith.constant 0 : i32
    %dma_wait3A_279 = tpu.memref_slice %arg16[%dma_wait3A_278] : memref<2560xf32, #tpu.memory_space<vmem>> -> memref<160xf32, #tpu.memory_space<vmem>>
    %dma_wait3A_280 = tpu.memref_slice %arg14[%add3A_23] : memref<40960xf32, #tpu.memory_space<vmem_shared>> -> memref<160xf32, #tpu.memory_space<vmem_shared>>
    %dma_wait3A_281 = arith.constant 0 : i32
    %dma_wait3A_282 = tpu.memref_slice %arg16[%dma_wait3A_281] : memref<2560xf32, #tpu.memory_space<vmem>> -> memref<160xf32, #tpu.memory_space<vmem>>
    %dma_wait3A_283 = tpu.memref_slice %arg14[%add3A_23] : memref<40960xf32, #tpu.memory_space<vmem_shared>> -> memref<160xf32, #tpu.memory_space<vmem_shared>>
    tpu.wait_dma2 semaphore(%arg23 : memref<!tpu.dma_semaphore, #tpu.memory_space<semaphore_mem>>) src(%dma_wait3A_283 : memref<160xf32, #tpu.memory_space<vmem_shared>>) dst(%dma_wait3A_282 : memref<160xf32, #tpu.memory_space<vmem>>)
    %dma_wait3A_284 = arith.constant 0 : i32
    %dma_wait3A_285 = tpu.memref_slice %arg17[%dma_wait3A_284] : memref<2560xi32, #tpu.memory_space<vmem>> -> memref<160xi32, #tpu.memory_space<vmem>>
    %dma_wait3A_286 = tpu.memref_slice %arg15[%add3A_25] : memref<40960xi32, #tpu.memory_space<vmem_shared>> -> memref<160xi32, #tpu.memory_space<vmem_shared>>
    %dma_wait3A_287 = arith.constant 0 : i32
    %dma_wait3A_288 = tpu.memref_slice %arg17[%dma_wait3A_287] : memref<2560xi32, #tpu.memory_space<vmem>> -> memref<160xi32, #tpu.memory_space<vmem>>
    %dma_wait3A_289 = tpu.memref_slice %arg15[%add3A_25] : memref<40960xi32, #tpu.memory_space<vmem_shared>> -> memref<160xi32, #tpu.memory_space<vmem_shared>>
    tpu.wait_dma2 semaphore(%arg23 : memref<!tpu.dma_semaphore, #tpu.memory_space<semaphore_mem>>) src(%dma_wait3A_289 : memref<160xi32, #tpu.memory_space<vmem_shared>>) dst(%dma_wait3A_288 : memref<160xi32, #tpu.memory_space<vmem>>)
    %dma_wait3A_290 = arith.constant 160 : i32
    %dma_wait3A_291 = tpu.memref_slice %arg16[%dma_wait3A_290] : memref<2560xf32, #tpu.memory_space<vmem>> -> memref<160xf32, #tpu.memory_space<vmem>>
    %dma_wait3A_292 = tpu.memref_slice %arg14[%add3A_27] : memref<40960xf32, #tpu.memory_space<vmem_shared>> -> memref<160xf32, #tpu.memory_space<vmem_shared>>
    %dma_wait3A_293 = arith.constant 160 : i32
    %dma_wait3A_294 = tpu.memref_slice %arg16[%dma_wait3A_293] : memref<2560xf32, #tpu.memory_space<vmem>> -> memref<160xf32, #tpu.memory_space<vmem>>
    %dma_wait3A_295 = tpu.memref_slice %arg14[%add3A_27] : memref<40960xf32, #tpu.memory_space<vmem_shared>> -> memref<160xf32, #tpu.memory_space<vmem_shared>>
    tpu.wait_dma2 semaphore(%arg23 : memref<!tpu.dma_semaphore, #tpu.memory_space<semaphore_mem>>) src(%dma_wait3A_295 : memref<160xf32, #tpu.memory_space<vmem_shared>>) dst(%dma_wait3A_294 : memref<160xf32, #tpu.memory_space<vmem>>)
    %dma_wait3A_296 = arith.constant 160 : i32
    %dma_wait3A_297 = tpu.memref_slice %arg17[%dma_wait3A_296] : memref<2560xi32, #tpu.memory_space<vmem>> -> memref<160xi32, #tpu.memory_space<vmem>>
    %dma_wait3A_298 = tpu.memref_slice %arg15[%add3A_29] : memref<40960xi32, #tpu.memory_space<vmem_shared>> -> memref<160xi32, #tpu.memory_space<vmem_shared>>
    %dma_wait3A_299 = arith.constant 160 : i32
    %dma_wait3A_300 = tpu.memref_slice %arg17[%dma_wait3A_299] : memref<2560xi32, #tpu.memory_space<vmem>> -> memref<160xi32, #tpu.memory_space<vmem>>
    %dma_wait3A_301 = tpu.memref_slice %arg15[%add3A_29] : memref<40960xi32, #tpu.memory_space<vmem_shared>> -> memref<160xi32, #tpu.memory_space<vmem_shared>>
    tpu.wait_dma2 semaphore(%arg23 : memref<!tpu.dma_semaphore, #tpu.memory_space<semaphore_mem>>) src(%dma_wait3A_301 : memref<160xi32, #tpu.memory_space<vmem_shared>>) dst(%dma_wait3A_300 : memref<160xi32, #tpu.memory_space<vmem>>)
    %dma_wait3A_302 = arith.constant 320 : i32
    %dma_wait3A_303 = tpu.memref_slice %arg16[%dma_wait3A_302] : memref<2560xf32, #tpu.memory_space<vmem>> -> memref<160xf32, #tpu.memory_space<vmem>>
    %dma_wait3A_304 = tpu.memref_slice %arg14[%add3A_31] : memref<40960xf32, #tpu.memory_space<vmem_shared>> -> memref<160xf32, #tpu.memory_space<vmem_shared>>
    %dma_wait3A_305 = arith.constant 320 : i32
    %dma_wait3A_306 = tpu.memref_slice %arg16[%dma_wait3A_305] : memref<2560xf32, #tpu.memory_space<vmem>> -> memref<160xf32, #tpu.memory_space<vmem>>
    %dma_wait3A_307 = tpu.memref_slice %arg14[%add3A_31] : memref<40960xf32, #tpu.memory_space<vmem_shared>> -> memref<160xf32, #tpu.memory_space<vmem_shared>>
    tpu.wait_dma2 semaphore(%arg23 : memref<!tpu.dma_semaphore, #tpu.memory_space<semaphore_mem>>) src(%dma_wait3A_307 : memref<160xf32, #tpu.memory_space<vmem_shared>>) dst(%dma_wait3A_306 : memref<160xf32, #tpu.memory_space<vmem>>)
    %dma_wait3A_308 = arith.constant 320 : i32
    %dma_wait3A_309 = tpu.memref_slice %arg17[%dma_wait3A_308] : memref<2560xi32, #tpu.memory_space<vmem>> -> memref<160xi32, #tpu.memory_space<vmem>>
    %dma_wait3A_310 = tpu.memref_slice %arg15[%add3A_33] : memref<40960xi32, #tpu.memory_space<vmem_shared>> -> memref<160xi32, #tpu.memory_space<vmem_shared>>
    %dma_wait3A_311 = arith.constant 320 : i32
    %dma_wait3A_312 = tpu.memref_slice %arg17[%dma_wait3A_311] : memref<2560xi32, #tpu.memory_space<vmem>> -> memref<160xi32, #tpu.memory_space<vmem>>
    %dma_wait3A_313 = tpu.memref_slice %arg15[%add3A_33] : memref<40960xi32, #tpu.memory_space<vmem_shared>> -> memref<160xi32, #tpu.memory_space<vmem_shared>>
    tpu.wait_dma2 semaphore(%arg23 : memref<!tpu.dma_semaphore, #tpu.memory_space<semaphore_mem>>) src(%dma_wait3A_313 : memref<160xi32, #tpu.memory_space<vmem_shared>>) dst(%dma_wait3A_312 : memref<160xi32, #tpu.memory_space<vmem>>)
    %dma_wait3A_314 = arith.constant 480 : i32
    %dma_wait3A_315 = tpu.memref_slice %arg16[%dma_wait3A_314] : memref<2560xf32, #tpu.memory_space<vmem>> -> memref<160xf32, #tpu.memory_space<vmem>>
    %dma_wait3A_316 = tpu.memref_slice %arg14[%add3A_35] : memref<40960xf32, #tpu.memory_space<vmem_shared>> -> memref<160xf32, #tpu.memory_space<vmem_shared>>
    %dma_wait3A_317 = arith.constant 480 : i32
    %dma_wait3A_318 = tpu.memref_slice %arg16[%dma_wait3A_317] : memref<2560xf32, #tpu.memory_space<vmem>> -> memref<160xf32, #tpu.memory_space<vmem>>
    %dma_wait3A_319 = tpu.memref_slice %arg14[%add3A_35] : memref<40960xf32, #tpu.memory_space<vmem_shared>> -> memref<160xf32, #tpu.memory_space<vmem_shared>>
    tpu.wait_dma2 semaphore(%arg23 : memref<!tpu.dma_semaphore, #tpu.memory_space<semaphore_mem>>) src(%dma_wait3A_319 : memref<160xf32, #tpu.memory_space<vmem_shared>>) dst(%dma_wait3A_318 : memref<160xf32, #tpu.memory_space<vmem>>)
    %dma_wait3A_320 = arith.constant 480 : i32
    %dma_wait3A_321 = tpu.memref_slice %arg17[%dma_wait3A_320] : memref<2560xi32, #tpu.memory_space<vmem>> -> memref<160xi32, #tpu.memory_space<vmem>>
    %dma_wait3A_322 = tpu.memref_slice %arg15[%add3A_37] : memref<40960xi32, #tpu.memory_space<vmem_shared>> -> memref<160xi32, #tpu.memory_space<vmem_shared>>
    %dma_wait3A_323 = arith.constant 480 : i32
    %dma_wait3A_324 = tpu.memref_slice %arg17[%dma_wait3A_323] : memref<2560xi32, #tpu.memory_space<vmem>> -> memref<160xi32, #tpu.memory_space<vmem>>
    %dma_wait3A_325 = tpu.memref_slice %arg15[%add3A_37] : memref<40960xi32, #tpu.memory_space<vmem_shared>> -> memref<160xi32, #tpu.memory_space<vmem_shared>>
    tpu.wait_dma2 semaphore(%arg23 : memref<!tpu.dma_semaphore, #tpu.memory_space<semaphore_mem>>) src(%dma_wait3A_325 : memref<160xi32, #tpu.memory_space<vmem_shared>>) dst(%dma_wait3A_324 : memref<160xi32, #tpu.memory_space<vmem>>)
    %dma_wait3A_326 = arith.constant 640 : i32
    %dma_wait3A_327 = tpu.memref_slice %arg16[%dma_wait3A_326] : memref<2560xf32, #tpu.memory_space<vmem>> -> memref<160xf32, #tpu.memory_space<vmem>>
    %dma_wait3A_328 = tpu.memref_slice %arg14[%add3A_39] : memref<40960xf32, #tpu.memory_space<vmem_shared>> -> memref<160xf32, #tpu.memory_space<vmem_shared>>
    %dma_wait3A_329 = arith.constant 640 : i32
    %dma_wait3A_330 = tpu.memref_slice %arg16[%dma_wait3A_329] : memref<2560xf32, #tpu.memory_space<vmem>> -> memref<160xf32, #tpu.memory_space<vmem>>
    %dma_wait3A_331 = tpu.memref_slice %arg14[%add3A_39] : memref<40960xf32, #tpu.memory_space<vmem_shared>> -> memref<160xf32, #tpu.memory_space<vmem_shared>>
    tpu.wait_dma2 semaphore(%arg23 : memref<!tpu.dma_semaphore, #tpu.memory_space<semaphore_mem>>) src(%dma_wait3A_331 : memref<160xf32, #tpu.memory_space<vmem_shared>>) dst(%dma_wait3A_330 : memref<160xf32, #tpu.memory_space<vmem>>)
    %dma_wait3A_332 = arith.constant 640 : i32
    %dma_wait3A_333 = tpu.memref_slice %arg17[%dma_wait3A_332] : memref<2560xi32, #tpu.memory_space<vmem>> -> memref<160xi32, #tpu.memory_space<vmem>>
    %dma_wait3A_334 = tpu.memref_slice %arg15[%add3A_41] : memref<40960xi32, #tpu.memory_space<vmem_shared>> -> memref<160xi32, #tpu.memory_space<vmem_shared>>
    %dma_wait3A_335 = arith.constant 640 : i32
    %dma_wait3A_336 = tpu.memref_slice %arg17[%dma_wait3A_335] : memref<2560xi32, #tpu.memory_space<vmem>> -> memref<160xi32, #tpu.memory_space<vmem>>
    %dma_wait3A_337 = tpu.memref_slice %arg15[%add3A_41] : memref<40960xi32, #tpu.memory_space<vmem_shared>> -> memref<160xi32, #tpu.memory_space<vmem_shared>>
    tpu.wait_dma2 semaphore(%arg23 : memref<!tpu.dma_semaphore, #tpu.memory_space<semaphore_mem>>) src(%dma_wait3A_337 : memref<160xi32, #tpu.memory_space<vmem_shared>>) dst(%dma_wait3A_336 : memref<160xi32, #tpu.memory_space<vmem>>)
    %dma_wait3A_338 = arith.constant 800 : i32
    %dma_wait3A_339 = tpu.memref_slice %arg16[%dma_wait3A_338] : memref<2560xf32, #tpu.memory_space<vmem>> -> memref<160xf32, #tpu.memory_space<vmem>>
    %dma_wait3A_340 = tpu.memref_slice %arg14[%add3A_43] : memref<40960xf32, #tpu.memory_space<vmem_shared>> -> memref<160xf32, #tpu.memory_space<vmem_shared>>
    %dma_wait3A_341 = arith.constant 800 : i32
    %dma_wait3A_342 = tpu.memref_slice %arg16[%dma_wait3A_341] : memref<2560xf32, #tpu.memory_space<vmem>> -> memref<160xf32, #tpu.memory_space<vmem>>
    %dma_wait3A_343 = tpu.memref_slice %arg14[%add3A_43] : memref<40960xf32, #tpu.memory_space<vmem_shared>> -> memref<160xf32, #tpu.memory_space<vmem_shared>>
    tpu.wait_dma2 semaphore(%arg23 : memref<!tpu.dma_semaphore, #tpu.memory_space<semaphore_mem>>) src(%dma_wait3A_343 : memref<160xf32, #tpu.memory_space<vmem_shared>>) dst(%dma_wait3A_342 : memref<160xf32, #tpu.memory_space<vmem>>)
    %dma_wait3A_344 = arith.constant 800 : i32
    %dma_wait3A_345 = tpu.memref_slice %arg17[%dma_wait3A_344] : memref<2560xi32, #tpu.memory_space<vmem>> -> memref<160xi32, #tpu.memory_space<vmem>>
    %dma_wait3A_346 = tpu.memref_slice %arg15[%add3A_45] : memref<40960xi32, #tpu.memory_space<vmem_shared>> -> memref<160xi32, #tpu.memory_space<vmem_shared>>
    %dma_wait3A_347 = arith.constant 800 : i32
    %dma_wait3A_348 = tpu.memref_slice %arg17[%dma_wait3A_347] : memref<2560xi32, #tpu.memory_space<vmem>> -> memref<160xi32, #tpu.memory_space<vmem>>
    %dma_wait3A_349 = tpu.memref_slice %arg15[%add3A_45] : memref<40960xi32, #tpu.memory_space<vmem_shared>> -> memref<160xi32, #tpu.memory_space<vmem_shared>>
    tpu.wait_dma2 semaphore(%arg23 : memref<!tpu.dma_semaphore, #tpu.memory_space<semaphore_mem>>) src(%dma_wait3A_349 : memref<160xi32, #tpu.memory_space<vmem_shared>>) dst(%dma_wait3A_348 : memref<160xi32, #tpu.memory_space<vmem>>)
    %dma_wait3A_350 = arith.constant 960 : i32
    %dma_wait3A_351 = tpu.memref_slice %arg16[%dma_wait3A_350] : memref<2560xf32, #tpu.memory_space<vmem>> -> memref<160xf32, #tpu.memory_space<vmem>>
    %dma_wait3A_352 = tpu.memref_slice %arg14[%add3A_47] : memref<40960xf32, #tpu.memory_space<vmem_shared>> -> memref<160xf32, #tpu.memory_space<vmem_shared>>
    %dma_wait3A_353 = arith.constant 960 : i32
    %dma_wait3A_354 = tpu.memref_slice %arg16[%dma_wait3A_353] : memref<2560xf32, #tpu.memory_space<vmem>> -> memref<160xf32, #tpu.memory_space<vmem>>
    %dma_wait3A_355 = tpu.memref_slice %arg14[%add3A_47] : memref<40960xf32, #tpu.memory_space<vmem_shared>> -> memref<160xf32, #tpu.memory_space<vmem_shared>>
    tpu.wait_dma2 semaphore(%arg23 : memref<!tpu.dma_semaphore, #tpu.memory_space<semaphore_mem>>) src(%dma_wait3A_355 : memref<160xf32, #tpu.memory_space<vmem_shared>>) dst(%dma_wait3A_354 : memref<160xf32, #tpu.memory_space<vmem>>)
    %dma_wait3A_356 = arith.constant 960 : i32
    %dma_wait3A_357 = tpu.memref_slice %arg17[%dma_wait3A_356] : memref<2560xi32, #tpu.memory_space<vmem>> -> memref<160xi32, #tpu.memory_space<vmem>>
    %dma_wait3A_358 = tpu.memref_slice %arg15[%add3A_49] : memref<40960xi32, #tpu.memory_space<vmem_shared>> -> memref<160xi32, #tpu.memory_space<vmem_shared>>
    %dma_wait3A_359 = arith.constant 960 : i32
    %dma_wait3A_360 = tpu.memref_slice %arg17[%dma_wait3A_359] : memref<2560xi32, #tpu.memory_space<vmem>> -> memref<160xi32, #tpu.memory_space<vmem>>
    %dma_wait3A_361 = tpu.memref_slice %arg15[%add3A_49] : memref<40960xi32, #tpu.memory_space<vmem_shared>> -> memref<160xi32, #tpu.memory_space<vmem_shared>>
    tpu.wait_dma2 semaphore(%arg23 : memref<!tpu.dma_semaphore, #tpu.memory_space<semaphore_mem>>) src(%dma_wait3A_361 : memref<160xi32, #tpu.memory_space<vmem_shared>>) dst(%dma_wait3A_360 : memref<160xi32, #tpu.memory_space<vmem>>)
    %dma_wait3A_362 = arith.constant 1120 : i32
    %dma_wait3A_363 = tpu.memref_slice %arg16[%dma_wait3A_362] : memref<2560xf32, #tpu.memory_space<vmem>> -> memref<160xf32, #tpu.memory_space<vmem>>
    %dma_wait3A_364 = tpu.memref_slice %arg14[%add3A_51] : memref<40960xf32, #tpu.memory_space<vmem_shared>> -> memref<160xf32, #tpu.memory_space<vmem_shared>>
    %dma_wait3A_365 = arith.constant 1120 : i32
    %dma_wait3A_366 = tpu.memref_slice %arg16[%dma_wait3A_365] : memref<2560xf32, #tpu.memory_space<vmem>> -> memref<160xf32, #tpu.memory_space<vmem>>
    %dma_wait3A_367 = tpu.memref_slice %arg14[%add3A_51] : memref<40960xf32, #tpu.memory_space<vmem_shared>> -> memref<160xf32, #tpu.memory_space<vmem_shared>>
    tpu.wait_dma2 semaphore(%arg23 : memref<!tpu.dma_semaphore, #tpu.memory_space<semaphore_mem>>) src(%dma_wait3A_367 : memref<160xf32, #tpu.memory_space<vmem_shared>>) dst(%dma_wait3A_366 : memref<160xf32, #tpu.memory_space<vmem>>)
    %dma_wait3A_368 = arith.constant 1120 : i32
    %dma_wait3A_369 = tpu.memref_slice %arg17[%dma_wait3A_368] : memref<2560xi32, #tpu.memory_space<vmem>> -> memref<160xi32, #tpu.memory_space<vmem>>
    %dma_wait3A_370 = tpu.memref_slice %arg15[%add3A_53] : memref<40960xi32, #tpu.memory_space<vmem_shared>> -> memref<160xi32, #tpu.memory_space<vmem_shared>>
    %dma_wait3A_371 = arith.constant 1120 : i32
    %dma_wait3A_372 = tpu.memref_slice %arg17[%dma_wait3A_371] : memref<2560xi32, #tpu.memory_space<vmem>> -> memref<160xi32, #tpu.memory_space<vmem>>
    %dma_wait3A_373 = tpu.memref_slice %arg15[%add3A_53] : memref<40960xi32, #tpu.memory_space<vmem_shared>> -> memref<160xi32, #tpu.memory_space<vmem_shared>>
    tpu.wait_dma2 semaphore(%arg23 : memref<!tpu.dma_semaphore, #tpu.memory_space<semaphore_mem>>) src(%dma_wait3A_373 : memref<160xi32, #tpu.memory_space<vmem_shared>>) dst(%dma_wait3A_372 : memref<160xi32, #tpu.memory_space<vmem>>)
    %dma_wait3A_374 = arith.constant 1280 : i32
    %dma_wait3A_375 = tpu.memref_slice %arg16[%dma_wait3A_374] : memref<2560xf32, #tpu.memory_space<vmem>> -> memref<160xf32, #tpu.memory_space<vmem>>
    %dma_wait3A_376 = tpu.memref_slice %arg14[%add3A_55] : memref<40960xf32, #tpu.memory_space<vmem_shared>> -> memref<160xf32, #tpu.memory_space<vmem_shared>>
    %dma_wait3A_377 = arith.constant 1280 : i32
    %dma_wait3A_378 = tpu.memref_slice %arg16[%dma_wait3A_377] : memref<2560xf32, #tpu.memory_space<vmem>> -> memref<160xf32, #tpu.memory_space<vmem>>
    %dma_wait3A_379 = tpu.memref_slice %arg14[%add3A_55] : memref<40960xf32, #tpu.memory_space<vmem_shared>> -> memref<160xf32, #tpu.memory_space<vmem_shared>>
    tpu.wait_dma2 semaphore(%arg23 : memref<!tpu.dma_semaphore, #tpu.memory_space<semaphore_mem>>) src(%dma_wait3A_379 : memref<160xf32, #tpu.memory_space<vmem_shared>>) dst(%dma_wait3A_378 : memref<160xf32, #tpu.memory_space<vmem>>)
    %dma_wait3A_380 = arith.constant 1280 : i32
    %dma_wait3A_381 = tpu.memref_slice %arg17[%dma_wait3A_380] : memref<2560xi32, #tpu.memory_space<vmem>> -> memref<160xi32, #tpu.memory_space<vmem>>
    %dma_wait3A_382 = tpu.memref_slice %arg15[%add3A_57] : memref<40960xi32, #tpu.memory_space<vmem_shared>> -> memref<160xi32, #tpu.memory_space<vmem_shared>>
    %dma_wait3A_383 = arith.constant 1280 : i32
    %dma_wait3A_384 = tpu.memref_slice %arg17[%dma_wait3A_383] : memref<2560xi32, #tpu.memory_space<vmem>> -> memref<160xi32, #tpu.memory_space<vmem>>
    %dma_wait3A_385 = tpu.memref_slice %arg15[%add3A_57] : memref<40960xi32, #tpu.memory_space<vmem_shared>> -> memref<160xi32, #tpu.memory_space<vmem_shared>>
    tpu.wait_dma2 semaphore(%arg23 : memref<!tpu.dma_semaphore, #tpu.memory_space<semaphore_mem>>) src(%dma_wait3A_385 : memref<160xi32, #tpu.memory_space<vmem_shared>>) dst(%dma_wait3A_384 : memref<160xi32, #tpu.memory_space<vmem>>)
    %dma_wait3A_386 = arith.constant 1440 : i32
    %dma_wait3A_387 = tpu.memref_slice %arg16[%dma_wait3A_386] : memref<2560xf32, #tpu.memory_space<vmem>> -> memref<160xf32, #tpu.memory_space<vmem>>
    %dma_wait3A_388 = tpu.memref_slice %arg14[%add3A_59] : memref<40960xf32, #tpu.memory_space<vmem_shared>> -> memref<160xf32, #tpu.memory_space<vmem_shared>>
    %dma_wait3A_389 = arith.constant 1440 : i32
    %dma_wait3A_390 = tpu.memref_slice %arg16[%dma_wait3A_389] : memref<2560xf32, #tpu.memory_space<vmem>> -> memref<160xf32, #tpu.memory_space<vmem>>
    %dma_wait3A_391 = tpu.memref_slice %arg14[%add3A_59] : memref<40960xf32, #tpu.memory_space<vmem_shared>> -> memref<160xf32, #tpu.memory_space<vmem_shared>>
    tpu.wait_dma2 semaphore(%arg23 : memref<!tpu.dma_semaphore, #tpu.memory_space<semaphore_mem>>) src(%dma_wait3A_391 : memref<160xf32, #tpu.memory_space<vmem_shared>>) dst(%dma_wait3A_390 : memref<160xf32, #tpu.memory_space<vmem>>)
    %dma_wait3A_392 = arith.constant 1440 : i32
    %dma_wait3A_393 = tpu.memref_slice %arg17[%dma_wait3A_392] : memref<2560xi32, #tpu.memory_space<vmem>> -> memref<160xi32, #tpu.memory_space<vmem>>
    %dma_wait3A_394 = tpu.memref_slice %arg15[%add3A_61] : memref<40960xi32, #tpu.memory_space<vmem_shared>> -> memref<160xi32, #tpu.memory_space<vmem_shared>>
    %dma_wait3A_395 = arith.constant 1440 : i32
    %dma_wait3A_396 = tpu.memref_slice %arg17[%dma_wait3A_395] : memref<2560xi32, #tpu.memory_space<vmem>> -> memref<160xi32, #tpu.memory_space<vmem>>
    %dma_wait3A_397 = tpu.memref_slice %arg15[%add3A_61] : memref<40960xi32, #tpu.memory_space<vmem_shared>> -> memref<160xi32, #tpu.memory_space<vmem_shared>>
    tpu.wait_dma2 semaphore(%arg23 : memref<!tpu.dma_semaphore, #tpu.memory_space<semaphore_mem>>) src(%dma_wait3A_397 : memref<160xi32, #tpu.memory_space<vmem_shared>>) dst(%dma_wait3A_396 : memref<160xi32, #tpu.memory_space<vmem>>)
    %dma_wait3A_398 = arith.constant 1600 : i32
    %dma_wait3A_399 = tpu.memref_slice %arg16[%dma_wait3A_398] : memref<2560xf32, #tpu.memory_space<vmem>> -> memref<160xf32, #tpu.memory_space<vmem>>
    %dma_wait3A_400 = tpu.memref_slice %arg14[%add3A_63] : memref<40960xf32, #tpu.memory_space<vmem_shared>> -> memref<160xf32, #tpu.memory_space<vmem_shared>>
    %dma_wait3A_401 = arith.constant 1600 : i32
    %dma_wait3A_402 = tpu.memref_slice %arg16[%dma_wait3A_401] : memref<2560xf32, #tpu.memory_space<vmem>> -> memref<160xf32, #tpu.memory_space<vmem>>
    %dma_wait3A_403 = tpu.memref_slice %arg14[%add3A_63] : memref<40960xf32, #tpu.memory_space<vmem_shared>> -> memref<160xf32, #tpu.memory_space<vmem_shared>>
    tpu.wait_dma2 semaphore(%arg23 : memref<!tpu.dma_semaphore, #tpu.memory_space<semaphore_mem>>) src(%dma_wait3A_403 : memref<160xf32, #tpu.memory_space<vmem_shared>>) dst(%dma_wait3A_402 : memref<160xf32, #tpu.memory_space<vmem>>)
    %dma_wait3A_404 = arith.constant 1600 : i32
    %dma_wait3A_405 = tpu.memref_slice %arg17[%dma_wait3A_404] : memref<2560xi32, #tpu.memory_space<vmem>> -> memref<160xi32, #tpu.memory_space<vmem>>
    %dma_wait3A_406 = tpu.memref_slice %arg15[%add3A_65] : memref<40960xi32, #tpu.memory_space<vmem_shared>> -> memref<160xi32, #tpu.memory_space<vmem_shared>>
    %dma_wait3A_407 = arith.constant 1600 : i32
    %dma_wait3A_408 = tpu.memref_slice %arg17[%dma_wait3A_407] : memref<2560xi32, #tpu.memory_space<vmem>> -> memref<160xi32, #tpu.memory_space<vmem>>
    %dma_wait3A_409 = tpu.memref_slice %arg15[%add3A_65] : memref<40960xi32, #tpu.memory_space<vmem_shared>> -> memref<160xi32, #tpu.memory_space<vmem_shared>>
    tpu.wait_dma2 semaphore(%arg23 : memref<!tpu.dma_semaphore, #tpu.memory_space<semaphore_mem>>) src(%dma_wait3A_409 : memref<160xi32, #tpu.memory_space<vmem_shared>>) dst(%dma_wait3A_408 : memref<160xi32, #tpu.memory_space<vmem>>)
    %dma_wait3A_410 = arith.constant 1760 : i32
    %dma_wait3A_411 = tpu.memref_slice %arg16[%dma_wait3A_410] : memref<2560xf32, #tpu.memory_space<vmem>> -> memref<160xf32, #tpu.memory_space<vmem>>
    %dma_wait3A_412 = tpu.memref_slice %arg14[%add3A_67] : memref<40960xf32, #tpu.memory_space<vmem_shared>> -> memref<160xf32, #tpu.memory_space<vmem_shared>>
    %dma_wait3A_413 = arith.constant 1760 : i32
    %dma_wait3A_414 = tpu.memref_slice %arg16[%dma_wait3A_413] : memref<2560xf32, #tpu.memory_space<vmem>> -> memref<160xf32, #tpu.memory_space<vmem>>
    %dma_wait3A_415 = tpu.memref_slice %arg14[%add3A_67] : memref<40960xf32, #tpu.memory_space<vmem_shared>> -> memref<160xf32, #tpu.memory_space<vmem_shared>>
    tpu.wait_dma2 semaphore(%arg23 : memref<!tpu.dma_semaphore, #tpu.memory_space<semaphore_mem>>) src(%dma_wait3A_415 : memref<160xf32, #tpu.memory_space<vmem_shared>>) dst(%dma_wait3A_414 : memref<160xf32, #tpu.memory_space<vmem>>)
    %dma_wait3A_416 = arith.constant 1760 : i32
    %dma_wait3A_417 = tpu.memref_slice %arg17[%dma_wait3A_416] : memref<2560xi32, #tpu.memory_space<vmem>> -> memref<160xi32, #tpu.memory_space<vmem>>
    %dma_wait3A_418 = tpu.memref_slice %arg15[%add3A_69] : memref<40960xi32, #tpu.memory_space<vmem_shared>> -> memref<160xi32, #tpu.memory_space<vmem_shared>>
    %dma_wait3A_419 = arith.constant 1760 : i32
    %dma_wait3A_420 = tpu.memref_slice %arg17[%dma_wait3A_419] : memref<2560xi32, #tpu.memory_space<vmem>> -> memref<160xi32, #tpu.memory_space<vmem>>
    %dma_wait3A_421 = tpu.memref_slice %arg15[%add3A_69] : memref<40960xi32, #tpu.memory_space<vmem_shared>> -> memref<160xi32, #tpu.memory_space<vmem_shared>>
    tpu.wait_dma2 semaphore(%arg23 : memref<!tpu.dma_semaphore, #tpu.memory_space<semaphore_mem>>) src(%dma_wait3A_421 : memref<160xi32, #tpu.memory_space<vmem_shared>>) dst(%dma_wait3A_420 : memref<160xi32, #tpu.memory_space<vmem>>)
    %dma_wait3A_422 = arith.constant 1920 : i32
    %dma_wait3A_423 = tpu.memref_slice %arg16[%dma_wait3A_422] : memref<2560xf32, #tpu.memory_space<vmem>> -> memref<160xf32, #tpu.memory_space<vmem>>
    %dma_wait3A_424 = tpu.memref_slice %arg14[%add3A_71] : memref<40960xf32, #tpu.memory_space<vmem_shared>> -> memref<160xf32, #tpu.memory_space<vmem_shared>>
    %dma_wait3A_425 = arith.constant 1920 : i32
    %dma_wait3A_426 = tpu.memref_slice %arg16[%dma_wait3A_425] : memref<2560xf32, #tpu.memory_space<vmem>> -> memref<160xf32, #tpu.memory_space<vmem>>
    %dma_wait3A_427 = tpu.memref_slice %arg14[%add3A_71] : memref<40960xf32, #tpu.memory_space<vmem_shared>> -> memref<160xf32, #tpu.memory_space<vmem_shared>>
    tpu.wait_dma2 semaphore(%arg23 : memref<!tpu.dma_semaphore, #tpu.memory_space<semaphore_mem>>) src(%dma_wait3A_427 : memref<160xf32, #tpu.memory_space<vmem_shared>>) dst(%dma_wait3A_426 : memref<160xf32, #tpu.memory_space<vmem>>)
    %dma_wait3A_428 = arith.constant 1920 : i32
    %dma_wait3A_429 = tpu.memref_slice %arg17[%dma_wait3A_428] : memref<2560xi32, #tpu.memory_space<vmem>> -> memref<160xi32, #tpu.memory_space<vmem>>
    %dma_wait3A_430 = tpu.memref_slice %arg15[%add3A_73] : memref<40960xi32, #tpu.memory_space<vmem_shared>> -> memref<160xi32, #tpu.memory_space<vmem_shared>>
    %dma_wait3A_431 = arith.constant 1920 : i32
    %dma_wait3A_432 = tpu.memref_slice %arg17[%dma_wait3A_431] : memref<2560xi32, #tpu.memory_space<vmem>> -> memref<160xi32, #tpu.memory_space<vmem>>
    %dma_wait3A_433 = tpu.memref_slice %arg15[%add3A_73] : memref<40960xi32, #tpu.memory_space<vmem_shared>> -> memref<160xi32, #tpu.memory_space<vmem_shared>>
    tpu.wait_dma2 semaphore(%arg23 : memref<!tpu.dma_semaphore, #tpu.memory_space<semaphore_mem>>) src(%dma_wait3A_433 : memref<160xi32, #tpu.memory_space<vmem_shared>>) dst(%dma_wait3A_432 : memref<160xi32, #tpu.memory_space<vmem>>)
    %dma_wait3A_434 = arith.constant 2080 : i32
    %dma_wait3A_435 = tpu.memref_slice %arg16[%dma_wait3A_434] : memref<2560xf32, #tpu.memory_space<vmem>> -> memref<160xf32, #tpu.memory_space<vmem>>
    %dma_wait3A_436 = tpu.memref_slice %arg14[%add3A_75] : memref<40960xf32, #tpu.memory_space<vmem_shared>> -> memref<160xf32, #tpu.memory_space<vmem_shared>>
    %dma_wait3A_437 = arith.constant 2080 : i32
    %dma_wait3A_438 = tpu.memref_slice %arg16[%dma_wait3A_437] : memref<2560xf32, #tpu.memory_space<vmem>> -> memref<160xf32, #tpu.memory_space<vmem>>
    %dma_wait3A_439 = tpu.memref_slice %arg14[%add3A_75] : memref<40960xf32, #tpu.memory_space<vmem_shared>> -> memref<160xf32, #tpu.memory_space<vmem_shared>>
    tpu.wait_dma2 semaphore(%arg23 : memref<!tpu.dma_semaphore, #tpu.memory_space<semaphore_mem>>) src(%dma_wait3A_439 : memref<160xf32, #tpu.memory_space<vmem_shared>>) dst(%dma_wait3A_438 : memref<160xf32, #tpu.memory_space<vmem>>)
    %dma_wait3A_440 = arith.constant 2080 : i32
    %dma_wait3A_441 = tpu.memref_slice %arg17[%dma_wait3A_440] : memref<2560xi32, #tpu.memory_space<vmem>> -> memref<160xi32, #tpu.memory_space<vmem>>
    %dma_wait3A_442 = tpu.memref_slice %arg15[%add3A_77] : memref<40960xi32, #tpu.memory_space<vmem_shared>> -> memref<160xi32, #tpu.memory_space<vmem_shared>>
    %dma_wait3A_443 = arith.constant 2080 : i32
    %dma_wait3A_444 = tpu.memref_slice %arg17[%dma_wait3A_443] : memref<2560xi32, #tpu.memory_space<vmem>> -> memref<160xi32, #tpu.memory_space<vmem>>
    %dma_wait3A_445 = tpu.memref_slice %arg15[%add3A_77] : memref<40960xi32, #tpu.memory_space<vmem_shared>> -> memref<160xi32, #tpu.memory_space<vmem_shared>>
    tpu.wait_dma2 semaphore(%arg23 : memref<!tpu.dma_semaphore, #tpu.memory_space<semaphore_mem>>) src(%dma_wait3A_445 : memref<160xi32, #tpu.memory_space<vmem_shared>>) dst(%dma_wait3A_444 : memref<160xi32, #tpu.memory_space<vmem>>)
    %dma_wait3A_446 = arith.constant 2240 : i32
    %dma_wait3A_447 = tpu.memref_slice %arg16[%dma_wait3A_446] : memref<2560xf32, #tpu.memory_space<vmem>> -> memref<160xf32, #tpu.memory_space<vmem>>
    %dma_wait3A_448 = tpu.memref_slice %arg14[%add3A_79] : memref<40960xf32, #tpu.memory_space<vmem_shared>> -> memref<160xf32, #tpu.memory_space<vmem_shared>>
    %dma_wait3A_449 = arith.constant 2240 : i32
    %dma_wait3A_450 = tpu.memref_slice %arg16[%dma_wait3A_449] : memref<2560xf32, #tpu.memory_space<vmem>> -> memref<160xf32, #tpu.memory_space<vmem>>
    %dma_wait3A_451 = tpu.memref_slice %arg14[%add3A_79] : memref<40960xf32, #tpu.memory_space<vmem_shared>> -> memref<160xf32, #tpu.memory_space<vmem_shared>>
    tpu.wait_dma2 semaphore(%arg23 : memref<!tpu.dma_semaphore, #tpu.memory_space<semaphore_mem>>) src(%dma_wait3A_451 : memref<160xf32, #tpu.memory_space<vmem_shared>>) dst(%dma_wait3A_450 : memref<160xf32, #tpu.memory_space<vmem>>)
    %dma_wait3A_452 = arith.constant 2240 : i32
    %dma_wait3A_453 = tpu.memref_slice %arg17[%dma_wait3A_452] : memref<2560xi32, #tpu.memory_space<vmem>> -> memref<160xi32, #tpu.memory_space<vmem>>
    %dma_wait3A_454 = tpu.memref_slice %arg15[%add3A_81] : memref<40960xi32, #tpu.memory_space<vmem_shared>> -> memref<160xi32, #tpu.memory_space<vmem_shared>>
    %dma_wait3A_455 = arith.constant 2240 : i32
    %dma_wait3A_456 = tpu.memref_slice %arg17[%dma_wait3A_455] : memref<2560xi32, #tpu.memory_space<vmem>> -> memref<160xi32, #tpu.memory_space<vmem>>
    %dma_wait3A_457 = tpu.memref_slice %arg15[%add3A_81] : memref<40960xi32, #tpu.memory_space<vmem_shared>> -> memref<160xi32, #tpu.memory_space<vmem_shared>>
    tpu.wait_dma2 semaphore(%arg23 : memref<!tpu.dma_semaphore, #tpu.memory_space<semaphore_mem>>) src(%dma_wait3A_457 : memref<160xi32, #tpu.memory_space<vmem_shared>>) dst(%dma_wait3A_456 : memref<160xi32, #tpu.memory_space<vmem>>)
    %dma_wait3A_458 = arith.constant 2400 : i32
    %dma_wait3A_459 = tpu.memref_slice %arg16[%dma_wait3A_458] : memref<2560xf32, #tpu.memory_space<vmem>> -> memref<160xf32, #tpu.memory_space<vmem>>
    %dma_wait3A_460 = tpu.memref_slice %arg14[%add3A_83] : memref<40960xf32, #tpu.memory_space<vmem_shared>> -> memref<160xf32, #tpu.memory_space<vmem_shared>>
    %dma_wait3A_461 = arith.constant 2400 : i32
    %dma_wait3A_462 = tpu.memref_slice %arg16[%dma_wait3A_461] : memref<2560xf32, #tpu.memory_space<vmem>> -> memref<160xf32, #tpu.memory_space<vmem>>
    %dma_wait3A_463 = tpu.memref_slice %arg14[%add3A_83] : memref<40960xf32, #tpu.memory_space<vmem_shared>> -> memref<160xf32, #tpu.memory_space<vmem_shared>>
    tpu.wait_dma2 semaphore(%arg23 : memref<!tpu.dma_semaphore, #tpu.memory_space<semaphore_mem>>) src(%dma_wait3A_463 : memref<160xf32, #tpu.memory_space<vmem_shared>>) dst(%dma_wait3A_462 : memref<160xf32, #tpu.memory_space<vmem>>)
    %dma_wait3A_464 = arith.constant 2400 : i32
    %dma_wait3A_465 = tpu.memref_slice %arg17[%dma_wait3A_464] : memref<2560xi32, #tpu.memory_space<vmem>> -> memref<160xi32, #tpu.memory_space<vmem>>
    %dma_wait3A_466 = tpu.memref_slice %arg15[%add3A_85] : memref<40960xi32, #tpu.memory_space<vmem_shared>> -> memref<160xi32, #tpu.memory_space<vmem_shared>>
    %dma_wait3A_467 = arith.constant 2400 : i32
    %dma_wait3A_468 = tpu.memref_slice %arg17[%dma_wait3A_467] : memref<2560xi32, #tpu.memory_space<vmem>> -> memref<160xi32, #tpu.memory_space<vmem>>
    %dma_wait3A_469 = tpu.memref_slice %arg15[%add3A_85] : memref<40960xi32, #tpu.memory_space<vmem_shared>> -> memref<160xi32, #tpu.memory_space<vmem_shared>>
    tpu.wait_dma2 semaphore(%arg23 : memref<!tpu.dma_semaphore, #tpu.memory_space<semaphore_mem>>) src(%dma_wait3A_469 : memref<160xi32, #tpu.memory_space<vmem_shared>>) dst(%dma_wait3A_468 : memref<160xi32, #tpu.memory_space<vmem>>)
    %dma_wait3A_470 = arith.constant 0 : i32
    %dma_wait3A_471 = tpu.memref_slice %arg3[%dma_wait3A_470] : memref<33600xf32, #tpu.memory_space<hbm>> -> memref<33600xf32, #tpu.memory_space<hbm>>
    tpu.wait_indirect_dma semaphore(%arg22 : memref<!tpu.dma_semaphore, #tpu.memory_space<semaphore_mem>>) src(%dma_wait3A_471 : memref<33600xf32, #tpu.memory_space<hbm>>) dst(%arg10 : memref<640xf32, #tpu.memory_space<vmem>>)
    %parallel_loop3A_472 = arith.constant 0 : i32
    %parallel_loop3A_473 = arith.constant 10 : i32
    %parallel_loop3A_474 = arith.constant 1 : i32
    scf.for %parallel_loop3A_486 = %parallel_loop3A_472 to %parallel_loop3A_473 step %parallel_loop3A_474  : i32 {
      %parallel_loop3A_487 = arith.constant 16 : i32
      %parallel_loop3A_488 = arith.muli %parallel_loop3A_486, %parallel_loop3A_487 : i32
      %parallel_loop3A_489 = arith.index_cast %parallel_loop3A_488 : i32 to index
      %parallel_loop3A_490 = tpu.vector_load %arg16[%parallel_loop3A_489] {strides = array<i32>} : memref<2560xf32, #tpu.memory_space<vmem>>, vector<16xf32>,
      %parallel_loop3A_491 = arith.index_cast %parallel_loop3A_488 : i32 to index
      %parallel_loop3A_492 = tpu.vector_load %arg17[%parallel_loop3A_491] {strides = array<i32>} : memref<2560xi32, #tpu.memory_space<vmem>>, vector<16xi32>,
      %parallel_loop3A_493 = arith.constant 160 : i32
      %parallel_loop3A_494 = arith.addi %parallel_loop3A_493, %parallel_loop3A_488 : i32
      %parallel_loop3A_495 = arith.index_cast %parallel_loop3A_494 : i32 to index
      %parallel_loop3A_496 = tpu.vector_load %arg16[%parallel_loop3A_495] {strides = array<i32>} : memref<2560xf32, #tpu.memory_space<vmem>>, vector<16xf32>,
      %parallel_loop3A_497 = arith.constant 160 : i32
      %parallel_loop3A_498 = arith.addi %parallel_loop3A_497, %parallel_loop3A_488 : i32
      %parallel_loop3A_499 = arith.index_cast %parallel_loop3A_498 : i32 to index
      %parallel_loop3A_500 = tpu.vector_load %arg17[%parallel_loop3A_499] {strides = array<i32>} : memref<2560xi32, #tpu.memory_space<vmem>>, vector<16xi32>,
      %parallel_loop3A_501 = arith.cmpf ogt, %parallel_loop3A_496, %parallel_loop3A_490 : vector<16xf32>
      %parallel_loop3A_502 = arith.select %parallel_loop3A_501, %parallel_loop3A_496, %parallel_loop3A_490 : vector<16xi1>, vector<16xf32>
      %parallel_loop3A_503 = arith.select %parallel_loop3A_501, %parallel_loop3A_500, %parallel_loop3A_492 : vector<16xi1>, vector<16xi32>
      %parallel_loop3A_504 = arith.constant 320 : i32
      %parallel_loop3A_505 = arith.addi %parallel_loop3A_504, %parallel_loop3A_488 : i32
      %parallel_loop3A_506 = arith.index_cast %parallel_loop3A_505 : i32 to index
      %parallel_loop3A_507 = tpu.vector_load %arg16[%parallel_loop3A_506] {strides = array<i32>} : memref<2560xf32, #tpu.memory_space<vmem>>, vector<16xf32>,
      %parallel_loop3A_508 = arith.constant 320 : i32
      %parallel_loop3A_509 = arith.addi %parallel_loop3A_508, %parallel_loop3A_488 : i32
      %parallel_loop3A_510 = arith.index_cast %parallel_loop3A_509 : i32 to index
      %parallel_loop3A_511 = tpu.vector_load %arg17[%parallel_loop3A_510] {strides = array<i32>} : memref<2560xi32, #tpu.memory_space<vmem>>, vector<16xi32>,
      %parallel_loop3A_512 = arith.cmpf ogt, %parallel_loop3A_507, %parallel_loop3A_502 : vector<16xf32>
      %parallel_loop3A_513 = arith.select %parallel_loop3A_512, %parallel_loop3A_507, %parallel_loop3A_502 : vector<16xi1>, vector<16xf32>
      %parallel_loop3A_514 = arith.select %parallel_loop3A_512, %parallel_loop3A_511, %parallel_loop3A_503 : vector<16xi1>, vector<16xi32>
      %parallel_loop3A_515 = arith.constant 480 : i32
      %parallel_loop3A_516 = arith.addi %parallel_loop3A_515, %parallel_loop3A_488 : i32
      %parallel_loop3A_517 = arith.index_cast %parallel_loop3A_516 : i32 to index
      %parallel_loop3A_518 = tpu.vector_load %arg16[%parallel_loop3A_517] {strides = array<i32>} : memref<2560xf32, #tpu.memory_space<vmem>>, vector<16xf32>,
      %parallel_loop3A_519 = arith.constant 480 : i32
      %parallel_loop3A_520 = arith.addi %parallel_loop3A_519, %parallel_loop3A_488 : i32
      %parallel_loop3A_521 = arith.index_cast %parallel_loop3A_520 : i32 to index
      %parallel_loop3A_522 = tpu.vector_load %arg17[%parallel_loop3A_521] {strides = array<i32>} : memref<2560xi32, #tpu.memory_space<vmem>>, vector<16xi32>,
      %parallel_loop3A_523 = arith.cmpf ogt, %parallel_loop3A_518, %parallel_loop3A_513 : vector<16xf32>
      %parallel_loop3A_524 = arith.select %parallel_loop3A_523, %parallel_loop3A_518, %parallel_loop3A_513 : vector<16xi1>, vector<16xf32>
      %parallel_loop3A_525 = arith.select %parallel_loop3A_523, %parallel_loop3A_522, %parallel_loop3A_514 : vector<16xi1>, vector<16xi32>
      %parallel_loop3A_526 = arith.constant 640 : i32
      %parallel_loop3A_527 = arith.addi %parallel_loop3A_526, %parallel_loop3A_488 : i32
      %parallel_loop3A_528 = arith.index_cast %parallel_loop3A_527 : i32 to index
      %parallel_loop3A_529 = tpu.vector_load %arg16[%parallel_loop3A_528] {strides = array<i32>} : memref<2560xf32, #tpu.memory_space<vmem>>, vector<16xf32>,
      %parallel_loop3A_530 = arith.constant 640 : i32
      %parallel_loop3A_531 = arith.addi %parallel_loop3A_530, %parallel_loop3A_488 : i32
      %parallel_loop3A_532 = arith.index_cast %parallel_loop3A_531 : i32 to index
      %parallel_loop3A_533 = tpu.vector_load %arg17[%parallel_loop3A_532] {strides = array<i32>} : memref<2560xi32, #tpu.memory_space<vmem>>, vector<16xi32>,
      %parallel_loop3A_534 = arith.cmpf ogt, %parallel_loop3A_529, %parallel_loop3A_524 : vector<16xf32>
      %parallel_loop3A_535 = arith.select %parallel_loop3A_534, %parallel_loop3A_529, %parallel_loop3A_524 : vector<16xi1>, vector<16xf32>
      %parallel_loop3A_536 = arith.select %parallel_loop3A_534, %parallel_loop3A_533, %parallel_loop3A_525 : vector<16xi1>, vector<16xi32>
      %parallel_loop3A_537 = arith.constant 800 : i32
      %parallel_loop3A_538 = arith.addi %parallel_loop3A_537, %parallel_loop3A_488 : i32
      %parallel_loop3A_539 = arith.index_cast %parallel_loop3A_538 : i32 to index
      %parallel_loop3A_540 = tpu.vector_load %arg16[%parallel_loop3A_539] {strides = array<i32>} : memref<2560xf32, #tpu.memory_space<vmem>>, vector<16xf32>,
      %parallel_loop3A_541 = arith.constant 800 : i32
      %parallel_loop3A_542 = arith.addi %parallel_loop3A_541, %parallel_loop3A_488 : i32
      %parallel_loop3A_543 = arith.index_cast %parallel_loop3A_542 : i32 to index
      %parallel_loop3A_544 = tpu.vector_load %arg17[%parallel_loop3A_543] {strides = array<i32>} : memref<2560xi32, #tpu.memory_space<vmem>>, vector<16xi32>,
      %parallel_loop3A_545 = arith.cmpf ogt, %parallel_loop3A_540, %parallel_loop3A_535 : vector<16xf32>
      %parallel_loop3A_546 = arith.select %parallel_loop3A_545, %parallel_loop3A_540, %parallel_loop3A_535 : vector<16xi1>, vector<16xf32>
      %parallel_loop3A_547 = arith.select %parallel_loop3A_545, %parallel_loop3A_544, %parallel_loop3A_536 : vector<16xi1>, vector<16xi32>
      %parallel_loop3A_548 = arith.constant 960 : i32
      %parallel_loop3A_549 = arith.addi %parallel_loop3A_548, %parallel_loop3A_488 : i32
      %parallel_loop3A_550 = arith.index_cast %parallel_loop3A_549 : i32 to index
      %parallel_loop3A_551 = tpu.vector_load %arg16[%parallel_loop3A_550] {strides = array<i32>} : memref<2560xf32, #tpu.memory_space<vmem>>, vector<16xf32>,
      %parallel_loop3A_552 = arith.constant 960 : i32
      %parallel_loop3A_553 = arith.addi %parallel_loop3A_552, %parallel_loop3A_488 : i32
      %parallel_loop3A_554 = arith.index_cast %parallel_loop3A_553 : i32 to index
      %parallel_loop3A_555 = tpu.vector_load %arg17[%parallel_loop3A_554] {strides = array<i32>} : memref<2560xi32, #tpu.memory_space<vmem>>, vector<16xi32>,
      %parallel_loop3A_556 = arith.cmpf ogt, %parallel_loop3A_551, %parallel_loop3A_546 : vector<16xf32>
      %parallel_loop3A_557 = arith.select %parallel_loop3A_556, %parallel_loop3A_551, %parallel_loop3A_546 : vector<16xi1>, vector<16xf32>
      %parallel_loop3A_558 = arith.select %parallel_loop3A_556, %parallel_loop3A_555, %parallel_loop3A_547 : vector<16xi1>, vector<16xi32>
      %parallel_loop3A_559 = arith.constant 1120 : i32
      %parallel_loop3A_560 = arith.addi %parallel_loop3A_559, %parallel_loop3A_488 : i32
      %parallel_loop3A_561 = arith.index_cast %parallel_loop3A_560 : i32 to index
      %parallel_loop3A_562 = tpu.vector_load %arg16[%parallel_loop3A_561] {strides = array<i32>} : memref<2560xf32, #tpu.memory_space<vmem>>, vector<16xf32>,
      %parallel_loop3A_563 = arith.constant 1120 : i32
      %parallel_loop3A_564 = arith.addi %parallel_loop3A_563, %parallel_loop3A_488 : i32
      %parallel_loop3A_565 = arith.index_cast %parallel_loop3A_564 : i32 to index
      %parallel_loop3A_566 = tpu.vector_load %arg17[%parallel_loop3A_565] {strides = array<i32>} : memref<2560xi32, #tpu.memory_space<vmem>>, vector<16xi32>,
      %parallel_loop3A_567 = arith.cmpf ogt, %parallel_loop3A_562, %parallel_loop3A_557 : vector<16xf32>
      %parallel_loop3A_568 = arith.select %parallel_loop3A_567, %parallel_loop3A_562, %parallel_loop3A_557 : vector<16xi1>, vector<16xf32>
      %parallel_loop3A_569 = arith.select %parallel_loop3A_567, %parallel_loop3A_566, %parallel_loop3A_558 : vector<16xi1>, vector<16xi32>
      %parallel_loop3A_570 = arith.constant 1280 : i32
      %parallel_loop3A_571 = arith.addi %parallel_loop3A_570, %parallel_loop3A_488 : i32
      %parallel_loop3A_572 = arith.index_cast %parallel_loop3A_571 : i32 to index
      %parallel_loop3A_573 = tpu.vector_load %arg16[%parallel_loop3A_572] {strides = array<i32>} : memref<2560xf32, #tpu.memory_space<vmem>>, vector<16xf32>,
      %parallel_loop3A_574 = arith.constant 1280 : i32
      %parallel_loop3A_575 = arith.addi %parallel_loop3A_574, %parallel_loop3A_488 : i32
      %parallel_loop3A_576 = arith.index_cast %parallel_loop3A_575 : i32 to index
      %parallel_loop3A_577 = tpu.vector_load %arg17[%parallel_loop3A_576] {strides = array<i32>} : memref<2560xi32, #tpu.memory_space<vmem>>, vector<16xi32>,
      %parallel_loop3A_578 = arith.cmpf ogt, %parallel_loop3A_573, %parallel_loop3A_568 : vector<16xf32>
      %parallel_loop3A_579 = arith.select %parallel_loop3A_578, %parallel_loop3A_573, %parallel_loop3A_568 : vector<16xi1>, vector<16xf32>
      %parallel_loop3A_580 = arith.select %parallel_loop3A_578, %parallel_loop3A_577, %parallel_loop3A_569 : vector<16xi1>, vector<16xi32>
      %parallel_loop3A_581 = arith.constant 1440 : i32
      %parallel_loop3A_582 = arith.addi %parallel_loop3A_581, %parallel_loop3A_488 : i32
      %parallel_loop3A_583 = arith.index_cast %parallel_loop3A_582 : i32 to index
      %parallel_loop3A_584 = tpu.vector_load %arg16[%parallel_loop3A_583] {strides = array<i32>} : memref<2560xf32, #tpu.memory_space<vmem>>, vector<16xf32>,
      %parallel_loop3A_585 = arith.constant 1440 : i32
      %parallel_loop3A_586 = arith.addi %parallel_loop3A_585, %parallel_loop3A_488 : i32
      %parallel_loop3A_587 = arith.index_cast %parallel_loop3A_586 : i32 to index
      %parallel_loop3A_588 = tpu.vector_load %arg17[%parallel_loop3A_587] {strides = array<i32>} : memref<2560xi32, #tpu.memory_space<vmem>>, vector<16xi32>,
      %parallel_loop3A_589 = arith.cmpf ogt, %parallel_loop3A_584, %parallel_loop3A_579 : vector<16xf32>
      %parallel_loop3A_590 = arith.select %parallel_loop3A_589, %parallel_loop3A_584, %parallel_loop3A_579 : vector<16xi1>, vector<16xf32>
      %parallel_loop3A_591 = arith.select %parallel_loop3A_589, %parallel_loop3A_588, %parallel_loop3A_580 : vector<16xi1>, vector<16xi32>
      %parallel_loop3A_592 = arith.constant 1600 : i32
      %parallel_loop3A_593 = arith.addi %parallel_loop3A_592, %parallel_loop3A_488 : i32
      %parallel_loop3A_594 = arith.index_cast %parallel_loop3A_593 : i32 to index
      %parallel_loop3A_595 = tpu.vector_load %arg16[%parallel_loop3A_594] {strides = array<i32>} : memref<2560xf32, #tpu.memory_space<vmem>>, vector<16xf32>,
      %parallel_loop3A_596 = arith.constant 1600 : i32
      %parallel_loop3A_597 = arith.addi %parallel_loop3A_596, %parallel_loop3A_488 : i32
      %parallel_loop3A_598 = arith.index_cast %parallel_loop3A_597 : i32 to index
      %parallel_loop3A_599 = tpu.vector_load %arg17[%parallel_loop3A_598] {strides = array<i32>} : memref<2560xi32, #tpu.memory_space<vmem>>, vector<16xi32>,
      %parallel_loop3A_600 = arith.cmpf ogt, %parallel_loop3A_595, %parallel_loop3A_590 : vector<16xf32>
      %parallel_loop3A_601 = arith.select %parallel_loop3A_600, %parallel_loop3A_595, %parallel_loop3A_590 : vector<16xi1>, vector<16xf32>
      %parallel_loop3A_602 = arith.select %parallel_loop3A_600, %parallel_loop3A_599, %parallel_loop3A_591 : vector<16xi1>, vector<16xi32>
      %parallel_loop3A_603 = arith.constant 1760 : i32
      %parallel_loop3A_604 = arith.addi %parallel_loop3A_603, %parallel_loop3A_488 : i32
      %parallel_loop3A_605 = arith.index_cast %parallel_loop3A_604 : i32 to index
      %parallel_loop3A_606 = tpu.vector_load %arg16[%parallel_loop3A_605] {strides = array<i32>} : memref<2560xf32, #tpu.memory_space<vmem>>, vector<16xf32>,
      %parallel_loop3A_607 = arith.constant 1760 : i32
      %parallel_loop3A_608 = arith.addi %parallel_loop3A_607, %parallel_loop3A_488 : i32
      %parallel_loop3A_609 = arith.index_cast %parallel_loop3A_608 : i32 to index
      %parallel_loop3A_610 = tpu.vector_load %arg17[%parallel_loop3A_609] {strides = array<i32>} : memref<2560xi32, #tpu.memory_space<vmem>>, vector<16xi32>,
      %parallel_loop3A_611 = arith.cmpf ogt, %parallel_loop3A_606, %parallel_loop3A_601 : vector<16xf32>
      %parallel_loop3A_612 = arith.select %parallel_loop3A_611, %parallel_loop3A_606, %parallel_loop3A_601 : vector<16xi1>, vector<16xf32>
      %parallel_loop3A_613 = arith.select %parallel_loop3A_611, %parallel_loop3A_610, %parallel_loop3A_602 : vector<16xi1>, vector<16xi32>
      %parallel_loop3A_614 = arith.constant 1920 : i32
      %parallel_loop3A_615 = arith.addi %parallel_loop3A_614, %parallel_loop3A_488 : i32
      %parallel_loop3A_616 = arith.index_cast %parallel_loop3A_615 : i32 to index
      %parallel_loop3A_617 = tpu.vector_load %arg16[%parallel_loop3A_616] {strides = array<i32>} : memref<2560xf32, #tpu.memory_space<vmem>>, vector<16xf32>,
      %parallel_loop3A_618 = arith.constant 1920 : i32
      %parallel_loop3A_619 = arith.addi %parallel_loop3A_618, %parallel_loop3A_488 : i32
      %parallel_loop3A_620 = arith.index_cast %parallel_loop3A_619 : i32 to index
      %parallel_loop3A_621 = tpu.vector_load %arg17[%parallel_loop3A_620] {strides = array<i32>} : memref<2560xi32, #tpu.memory_space<vmem>>, vector<16xi32>,
      %parallel_loop3A_622 = arith.cmpf ogt, %parallel_loop3A_617, %parallel_loop3A_612 : vector<16xf32>
      %parallel_loop3A_623 = arith.select %parallel_loop3A_622, %parallel_loop3A_617, %parallel_loop3A_612 : vector<16xi1>, vector<16xf32>
      %parallel_loop3A_624 = arith.select %parallel_loop3A_622, %parallel_loop3A_621, %parallel_loop3A_613 : vector<16xi1>, vector<16xi32>
      %parallel_loop3A_625 = arith.constant 2080 : i32
      %parallel_loop3A_626 = arith.addi %parallel_loop3A_625, %parallel_loop3A_488 : i32
      %parallel_loop3A_627 = arith.index_cast %parallel_loop3A_626 : i32 to index
      %parallel_loop3A_628 = tpu.vector_load %arg16[%parallel_loop3A_627] {strides = array<i32>} : memref<2560xf32, #tpu.memory_space<vmem>>, vector<16xf32>,
      %parallel_loop3A_629 = arith.constant 2080 : i32
      %parallel_loop3A_630 = arith.addi %parallel_loop3A_629, %parallel_loop3A_488 : i32
      %parallel_loop3A_631 = arith.index_cast %parallel_loop3A_630 : i32 to index
      %parallel_loop3A_632 = tpu.vector_load %arg17[%parallel_loop3A_631] {strides = array<i32>} : memref<2560xi32, #tpu.memory_space<vmem>>, vector<16xi32>,
      %parallel_loop3A_633 = arith.cmpf ogt, %parallel_loop3A_628, %parallel_loop3A_623 : vector<16xf32>
      %parallel_loop3A_634 = arith.select %parallel_loop3A_633, %parallel_loop3A_628, %parallel_loop3A_623 : vector<16xi1>, vector<16xf32>
      %parallel_loop3A_635 = arith.select %parallel_loop3A_633, %parallel_loop3A_632, %parallel_loop3A_624 : vector<16xi1>, vector<16xi32>
      %parallel_loop3A_636 = arith.constant 2240 : i32
      %parallel_loop3A_637 = arith.addi %parallel_loop3A_636, %parallel_loop3A_488 : i32
      %parallel_loop3A_638 = arith.index_cast %parallel_loop3A_637 : i32 to index
      %parallel_loop3A_639 = tpu.vector_load %arg16[%parallel_loop3A_638] {strides = array<i32>} : memref<2560xf32, #tpu.memory_space<vmem>>, vector<16xf32>,
      %parallel_loop3A_640 = arith.constant 2240 : i32
      %parallel_loop3A_641 = arith.addi %parallel_loop3A_640, %parallel_loop3A_488 : i32
      %parallel_loop3A_642 = arith.index_cast %parallel_loop3A_641 : i32 to index
      %parallel_loop3A_643 = tpu.vector_load %arg17[%parallel_loop3A_642] {strides = array<i32>} : memref<2560xi32, #tpu.memory_space<vmem>>, vector<16xi32>,
      %parallel_loop3A_644 = arith.cmpf ogt, %parallel_loop3A_639, %parallel_loop3A_634 : vector<16xf32>
      %parallel_loop3A_645 = arith.select %parallel_loop3A_644, %parallel_loop3A_639, %parallel_loop3A_634 : vector<16xi1>, vector<16xf32>
      %parallel_loop3A_646 = arith.select %parallel_loop3A_644, %parallel_loop3A_643, %parallel_loop3A_635 : vector<16xi1>, vector<16xi32>
      %parallel_loop3A_647 = arith.constant 2400 : i32
      %parallel_loop3A_648 = arith.addi %parallel_loop3A_647, %parallel_loop3A_488 : i32
      %parallel_loop3A_649 = arith.index_cast %parallel_loop3A_648 : i32 to index
      %parallel_loop3A_650 = tpu.vector_load %arg16[%parallel_loop3A_649] {strides = array<i32>} : memref<2560xf32, #tpu.memory_space<vmem>>, vector<16xf32>,
      %parallel_loop3A_651 = arith.constant 2400 : i32
      %parallel_loop3A_652 = arith.addi %parallel_loop3A_651, %parallel_loop3A_488 : i32
      %parallel_loop3A_653 = arith.index_cast %parallel_loop3A_652 : i32 to index
      %parallel_loop3A_654 = tpu.vector_load %arg17[%parallel_loop3A_653] {strides = array<i32>} : memref<2560xi32, #tpu.memory_space<vmem>>, vector<16xi32>,
      %parallel_loop3A_655 = arith.cmpf ogt, %parallel_loop3A_650, %parallel_loop3A_645 : vector<16xf32>
      %parallel_loop3A_656 = arith.select %parallel_loop3A_655, %parallel_loop3A_650, %parallel_loop3A_645 : vector<16xi1>, vector<16xf32>
      %parallel_loop3A_657 = arith.select %parallel_loop3A_655, %parallel_loop3A_654, %parallel_loop3A_646 : vector<16xi1>, vector<16xi32>
      %parallel_loop3A_658 = arith.index_cast %parallel_loop3A_488 : i32 to index
      %parallel_loop3A_659 = tpu.vector_load %arg19[%parallel_loop3A_658] {strides = array<i32>} : memref<160xf32, #tpu.memory_space<vmem>>, vector<16xf32>,
      tpu.vector_store %arg19[%parallel_loop3A_658], %parallel_loop3A_656 {strides = array<i32>} : memref<160xf32, #tpu.memory_space<vmem>>, vector<16xf32>,
      %parallel_loop3A_660 = arith.index_cast %parallel_loop3A_488 : i32 to index
      %parallel_loop3A_661 = tpu.vector_load %arg20[%parallel_loop3A_660] {strides = array<i32>} : memref<160xi32, #tpu.memory_space<vmem>>, vector<16xi32>,
      tpu.vector_store %arg20[%parallel_loop3A_660], %parallel_loop3A_657 {strides = array<i32>} : memref<160xi32, #tpu.memory_space<vmem>>, vector<16xi32>,
      %parallel_loop3A_662 = vector.broadcast %parallel_loop3A_488 : i32 to vector<16xi32>
      %parallel_loop3A_663 = arith.addi %parallel_loop3A_662, %iota3A : vector<16xi32>
      %parallel_loop3A_664 = arith.constant 4 : i32
      %parallel_loop3A_665 = vector.broadcast %parallel_loop3A_664 : i32 to vector<16xi32>
      %parallel_loop3A_666 = arith.muli %parallel_loop3A_663, %parallel_loop3A_665 : vector<16xi32>
      %parallel_loop3A_667 = tpu.vector_load_idx %arg10[%parallel_loop3A_666] : memref<640xf32, #tpu.memory_space<vmem>>[vector<16xi32>], vector<16xf32>,
      %parallel_loop3A_668 = arith.constant 1 : i32
      %parallel_loop3A_669 = vector.broadcast %parallel_loop3A_668 : i32 to vector<16xi32>
      %parallel_loop3A_670 = arith.addi %parallel_loop3A_666, %parallel_loop3A_669 : vector<16xi32>
      %parallel_loop3A_671 = tpu.vector_load_idx %arg10[%parallel_loop3A_670] : memref<640xf32, #tpu.memory_space<vmem>>[vector<16xi32>], vector<16xf32>,
      %parallel_loop3A_672 = arith.constant 2 : i32
      %parallel_loop3A_673 = vector.broadcast %parallel_loop3A_672 : i32 to vector<16xi32>
      %parallel_loop3A_674 = arith.addi %parallel_loop3A_666, %parallel_loop3A_673 : vector<16xi32>
      %parallel_loop3A_675 = tpu.vector_load_idx %arg10[%parallel_loop3A_674] : memref<640xf32, #tpu.memory_space<vmem>>[vector<16xi32>], vector<16xf32>,
      %parallel_loop3A_676 = arith.constant 3 : i32
      %parallel_loop3A_677 = vector.broadcast %parallel_loop3A_676 : i32 to vector<16xi32>
      %parallel_loop3A_678 = arith.addi %parallel_loop3A_666, %parallel_loop3A_677 : vector<16xi32>
      %parallel_loop3A_679 = tpu.vector_load_idx %arg10[%parallel_loop3A_678] : memref<640xf32, #tpu.memory_space<vmem>>[vector<16xi32>], vector<16xf32>,
      %parallel_loop3A_680 = arith.constant 5.000000e-01 : f32
      %parallel_loop3A_681 = vector.broadcast %parallel_loop3A_680 : f32 to vector<16xf32>
      %parallel_loop3A_682 = arith.mulf %parallel_loop3A_681, %parallel_loop3A_675 : vector<16xf32>
      %parallel_loop3A_683 = arith.constant 5.000000e-01 : f32
      %parallel_loop3A_684 = vector.broadcast %parallel_loop3A_683 : f32 to vector<16xf32>
      %parallel_loop3A_685 = arith.mulf %parallel_loop3A_684, %parallel_loop3A_679 : vector<16xf32>
      %parallel_loop3A_686 = arith.subf %parallel_loop3A_667, %parallel_loop3A_682 : vector<16xf32>
      %parallel_loop3A_687 = arith.constant 6.400000e+02 : f32
      %parallel_loop3A_688 = vector.broadcast %parallel_loop3A_687 : f32 to vector<16xf32>
      %parallel_loop3A_689 = arith.divf %parallel_loop3A_686, %parallel_loop3A_688 : vector<16xf32>
      %parallel_loop3A_690 = arith.subf %parallel_loop3A_671, %parallel_loop3A_685 : vector<16xf32>
      %parallel_loop3A_691 = arith.constant 4.800000e+02 : f32
      %parallel_loop3A_692 = vector.broadcast %parallel_loop3A_691 : f32 to vector<16xf32>
      %parallel_loop3A_693 = arith.divf %parallel_loop3A_690, %parallel_loop3A_692 : vector<16xf32>
      %parallel_loop3A_694 = arith.addf %parallel_loop3A_667, %parallel_loop3A_682 : vector<16xf32>
      %parallel_loop3A_695 = arith.constant 6.400000e+02 : f32
      %parallel_loop3A_696 = vector.broadcast %parallel_loop3A_695 : f32 to vector<16xf32>
      %parallel_loop3A_697 = arith.divf %parallel_loop3A_694, %parallel_loop3A_696 : vector<16xf32>
      %parallel_loop3A_698 = arith.addf %parallel_loop3A_671, %parallel_loop3A_685 : vector<16xf32>
      %parallel_loop3A_699 = arith.constant 4.800000e+02 : f32
      %parallel_loop3A_700 = vector.broadcast %parallel_loop3A_699 : f32 to vector<16xf32>
      %parallel_loop3A_701 = arith.divf %parallel_loop3A_698, %parallel_loop3A_700 : vector<16xf32>
      %parallel_loop3A_702 = vector.broadcast %parallel_loop3A_488 : i32 to vector<16xi32>
      %parallel_loop3A_703 = arith.addi %parallel_loop3A_702, %iota3A : vector<16xi32>
      %parallel_loop3A_704 = arith.constant 0 : i32
      %parallel_loop3A_705 = vector.broadcast %parallel_loop3A_704 : i32 to vector<16xi32>
      tpu.vector_store_idx %arg18[%parallel_loop3A_703, %parallel_loop3A_705], %parallel_loop3A_689 : memref<160x4xf32, #tpu.memory_space<vmem>>[vector<16xi32>, vector<16xi32>], vector<16xf32>,
      %parallel_loop3A_706 = arith.constant 1 : i32
      %parallel_loop3A_707 = vector.broadcast %parallel_loop3A_706 : i32 to vector<16xi32>
      %parallel_loop3A_708 = arith.addi %parallel_loop3A_705, %parallel_loop3A_707 : vector<16xi32>
      tpu.vector_store_idx %arg18[%parallel_loop3A_703, %parallel_loop3A_708], %parallel_loop3A_693 : memref<160x4xf32, #tpu.memory_space<vmem>>[vector<16xi32>, vector<16xi32>], vector<16xf32>,
      %parallel_loop3A_709 = arith.constant 2 : i32
      %parallel_loop3A_710 = vector.broadcast %parallel_loop3A_709 : i32 to vector<16xi32>
      %parallel_loop3A_711 = arith.addi %parallel_loop3A_705, %parallel_loop3A_710 : vector<16xi32>
      tpu.vector_store_idx %arg18[%parallel_loop3A_703, %parallel_loop3A_711], %parallel_loop3A_697 : memref<160x4xf32, #tpu.memory_space<vmem>>[vector<16xi32>, vector<16xi32>], vector<16xf32>,
      %parallel_loop3A_712 = arith.constant 3 : i32
      %parallel_loop3A_713 = vector.broadcast %parallel_loop3A_712 : i32 to vector<16xi32>
      %parallel_loop3A_714 = arith.addi %parallel_loop3A_705, %parallel_loop3A_713 : vector<16xi32>
      tpu.vector_store_idx %arg18[%parallel_loop3A_703, %parallel_loop3A_714], %parallel_loop3A_701 : memref<160x4xf32, #tpu.memory_space<vmem>>[vector<16xi32>, vector<16xi32>], vector<16xf32>,
    } {sc.loop_unroll_factor = 1 : i64, sc.parallel_access}
    %mul3A_475 = arith.constant 2560 : i32
    %mul3A_476 = arith.muli %arg0, %mul3A_475 : i32
    %add3A_477 = arith.addi %mul3A_476, %mul3A_0 : i32
    %eq3A = arith.constant 1 : i32
    %eq3A_478 = arith.cmpi eq, %arg0, %eq3A : i32
    %eq3A_479 = arith.constant 15 : i32
    %eq3A_480 = arith.cmpi eq, %arg1, %eq3A_479 : i32
    %and3A = arith.andi %eq3A_478, %eq3A_480 : i1
    %not3A = arith.constant true
    %not3A_481 = arith.xori %and3A, %not3A : i1
    %convert_element_type3A = arith.extui %not3A_481 : i1 to i32
    %cond3A = arith.constant 0 : i32
    %cond3A_482 = arith.cmpi ne, %convert_element_type3A, %cond3A : i32
    scf.if %cond3A_482 {
      %run_scoped3A = arith.constant 0 : i32
      "tpu.region"() ({
        %run_scoped3A_488 = tpu.sem_alloc : memref<!tpu.dma_semaphore, #tpu.memory_space<semaphore_mem>>
        %dma_start3A_489 = tpu.memref_slice %arg6[%run_scoped3A, %add3A_477] : memref<1x5000xf32, #tpu.memory_space<hbm>> -> memref<1x160xf32, #tpu.memory_space<hbm>>
        %dma_start3A_490 = tpu.memref_squeeze %dma_start3A_489 : memref<1x160xf32, #tpu.memory_space<hbm>> -> memref<160xf32, #tpu.memory_space<hbm>>
        %dma_start3A_491 = tpu.memref_slice %arg6[%run_scoped3A, %add3A_477] : memref<1x5000xf32, #tpu.memory_space<hbm>> -> memref<1x160xf32, #tpu.memory_space<hbm>>
        %dma_start3A_492 = tpu.memref_squeeze %dma_start3A_491 : memref<1x160xf32, #tpu.memory_space<hbm>> -> memref<160xf32, #tpu.memory_space<hbm>>
        tpu.enqueue_dma source(%arg19 : memref<160xf32, #tpu.memory_space<vmem>>) target(%dma_start3A_492 : memref<160xf32, #tpu.memory_space<hbm>>) target_semaphore(%run_scoped3A_488 : memref<!tpu.dma_semaphore, #tpu.memory_space<semaphore_mem>>)
        %dma_wait3A_493 = tpu.memref_slice %arg6[%run_scoped3A, %add3A_477] : memref<1x5000xf32, #tpu.memory_space<hbm>> -> memref<1x160xf32, #tpu.memory_space<hbm>>
        %dma_wait3A_494 = tpu.memref_squeeze %dma_wait3A_493 : memref<1x160xf32, #tpu.memory_space<hbm>> -> memref<160xf32, #tpu.memory_space<hbm>>
        %dma_wait3A_495 = tpu.memref_slice %arg6[%run_scoped3A, %add3A_477] : memref<1x5000xf32, #tpu.memory_space<hbm>> -> memref<1x160xf32, #tpu.memory_space<hbm>>
        %dma_wait3A_496 = tpu.memref_squeeze %dma_wait3A_495 : memref<1x160xf32, #tpu.memory_space<hbm>> -> memref<160xf32, #tpu.memory_space<hbm>>
        tpu.wait_dma2 semaphore(%run_scoped3A_488 : memref<!tpu.dma_semaphore, #tpu.memory_space<semaphore_mem>>) src(%arg19 : memref<160xf32, #tpu.memory_space<vmem>>) dst(%dma_wait3A_496 : memref<160xf32, #tpu.memory_space<hbm>>)
        tpu.yield
      }) : () -> ()
      %run_scoped3A_486 = arith.constant 0 : i32
      "tpu.region"() ({
        %run_scoped3A_488 = tpu.sem_alloc : memref<!tpu.dma_semaphore, #tpu.memory_space<semaphore_mem>>
        %dma_start3A_489 = tpu.memref_slice %arg7[%run_scoped3A_486, %add3A_477] : memref<1x5000xi32, #tpu.memory_space<hbm>> -> memref<1x160xi32, #tpu.memory_space<hbm>>
        %dma_start3A_490 = tpu.memref_squeeze %dma_start3A_489 : memref<1x160xi32, #tpu.memory_space<hbm>> -> memref<160xi32, #tpu.memory_space<hbm>>
        %dma_start3A_491 = tpu.memref_slice %arg7[%run_scoped3A_486, %add3A_477] : memref<1x5000xi32, #tpu.memory_space<hbm>> -> memref<1x160xi32, #tpu.memory_space<hbm>>
        %dma_start3A_492 = tpu.memref_squeeze %dma_start3A_491 : memref<1x160xi32, #tpu.memory_space<hbm>> -> memref<160xi32, #tpu.memory_space<hbm>>
        tpu.enqueue_dma source(%arg20 : memref<160xi32, #tpu.memory_space<vmem>>) target(%dma_start3A_492 : memref<160xi32, #tpu.memory_space<hbm>>) target_semaphore(%run_scoped3A_488 : memref<!tpu.dma_semaphore, #tpu.memory_space<semaphore_mem>>)
        %dma_wait3A_493 = tpu.memref_slice %arg7[%run_scoped3A_486, %add3A_477] : memref<1x5000xi32, #tpu.memory_space<hbm>> -> memref<1x160xi32, #tpu.memory_space<hbm>>
        %dma_wait3A_494 = tpu.memref_squeeze %dma_wait3A_493 : memref<1x160xi32, #tpu.memory_space<hbm>> -> memref<160xi32, #tpu.memory_space<hbm>>
        %dma_wait3A_495 = tpu.memref_slice %arg7[%run_scoped3A_486, %add3A_477] : memref<1x5000xi32, #tpu.memory_space<hbm>> -> memref<1x160xi32, #tpu.memory_space<hbm>>
        %dma_wait3A_496 = tpu.memref_squeeze %dma_wait3A_495 : memref<1x160xi32, #tpu.memory_space<hbm>> -> memref<160xi32, #tpu.memory_space<hbm>>
        tpu.wait_dma2 semaphore(%run_scoped3A_488 : memref<!tpu.dma_semaphore, #tpu.memory_space<semaphore_mem>>) src(%arg20 : memref<160xi32, #tpu.memory_space<vmem>>) dst(%dma_wait3A_496 : memref<160xi32, #tpu.memory_space<hbm>>)
        tpu.yield
      }) : () -> ()
      %run_scoped3A_487 = arith.constant 0 : i32
      "tpu.region"() ({
        %run_scoped3A_488 = tpu.sem_alloc : memref<!tpu.dma_semaphore, #tpu.memory_space<semaphore_mem>>
        %dma_start3A_489 = arith.constant 0 : i32
        %dma_start3A_490 = tpu.memref_slice %arg5[%run_scoped3A_487, %add3A_477, %dma_start3A_489] : memref<1x5000x4xf32, #tpu.memory_space<hbm>> -> memref<1x160x4xf32, #tpu.memory_space<hbm>>
        %dma_start3A_491 = tpu.memref_squeeze %dma_start3A_490 : memref<1x160x4xf32, #tpu.memory_space<hbm>> -> memref<160x4xf32, #tpu.memory_space<hbm>>
        %dma_start3A_492 = arith.constant 0 : i32
        %dma_start3A_493 = tpu.memref_slice %arg5[%run_scoped3A_487, %add3A_477, %dma_start3A_492] : memref<1x5000x4xf32, #tpu.memory_space<hbm>> -> memref<1x160x4xf32, #tpu.memory_space<hbm>>
        %dma_start3A_494 = tpu.memref_squeeze %dma_start3A_493 : memref<1x160x4xf32, #tpu.memory_space<hbm>> -> memref<160x4xf32, #tpu.memory_space<hbm>>
        tpu.enqueue_dma source(%arg18 : memref<160x4xf32, #tpu.memory_space<vmem>>) target(%dma_start3A_494 : memref<160x4xf32, #tpu.memory_space<hbm>>) target_semaphore(%run_scoped3A_488 : memref<!tpu.dma_semaphore, #tpu.memory_space<semaphore_mem>>)
        %dma_wait3A_495 = arith.constant 0 : i32
        %dma_wait3A_496 = tpu.memref_slice %arg5[%run_scoped3A_487, %add3A_477, %dma_wait3A_495] : memref<1x5000x4xf32, #tpu.memory_space<hbm>> -> memref<1x160x4xf32, #tpu.memory_space<hbm>>
        %dma_wait3A_497 = tpu.memref_squeeze %dma_wait3A_496 : memref<1x160x4xf32, #tpu.memory_space<hbm>> -> memref<160x4xf32, #tpu.memory_space<hbm>>
        %dma_wait3A_498 = arith.constant 0 : i32
        %dma_wait3A_499 = tpu.memref_slice %arg5[%run_scoped3A_487, %add3A_477, %dma_wait3A_498] : memref<1x5000x4xf32, #tpu.memory_space<hbm>> -> memref<1x160x4xf32, #tpu.memory_space<hbm>>
        %dma_wait3A_500 = tpu.memref_squeeze %dma_wait3A_499 : memref<1x160x4xf32, #tpu.memory_space<hbm>> -> memref<160x4xf32, #tpu.memory_space<hbm>>
        tpu.wait_dma2 semaphore(%run_scoped3A_488 : memref<!tpu.dma_semaphore, #tpu.memory_space<semaphore_mem>>) src(%arg18 : memref<160x4xf32, #tpu.memory_space<vmem>>) dst(%dma_wait3A_500 : memref<160x4xf32, #tpu.memory_space<hbm>>)
        tpu.yield
      }) : () -> ()
    } else {
    }
    %convert_element_type3A_483 = arith.extui %and3A : i1 to i32
    %cond3A_484 = arith.constant 0 : i32
    %cond3A_485 = arith.cmpi ne, %convert_element_type3A_483, %cond3A_484 : i32
    scf.if %cond3A_485 {
      %run_scoped3A = arith.constant 0 : i32
      "tpu.region"() ({
        %run_scoped3A_488 = tpu.sem_alloc : memref<!tpu.dma_semaphore, #tpu.memory_space<semaphore_mem>>
        %dma_start3A_489 = arith.constant 0 : i32
        %dma_start3A_490 = tpu.memref_slice %arg19[%dma_start3A_489] : memref<160xf32, #tpu.memory_space<vmem>> -> memref<40xf32, #tpu.memory_space<vmem>>
        %dma_start3A_491 = arith.constant 4960 : i32
        %dma_start3A_492 = tpu.memref_slice %arg6[%run_scoped3A, %dma_start3A_491] : memref<1x5000xf32, #tpu.memory_space<hbm>> -> memref<1x40xf32, #tpu.memory_space<hbm>>
        %dma_start3A_493 = tpu.memref_squeeze %dma_start3A_492 : memref<1x40xf32, #tpu.memory_space<hbm>> -> memref<40xf32, #tpu.memory_space<hbm>>
        %dma_start3A_494 = arith.constant 4960 : i32
        %dma_start3A_495 = tpu.memref_slice %arg6[%run_scoped3A, %dma_start3A_494] : memref<1x5000xf32, #tpu.memory_space<hbm>> -> memref<1x40xf32, #tpu.memory_space<hbm>>
        %dma_start3A_496 = tpu.memref_squeeze %dma_start3A_495 : memref<1x40xf32, #tpu.memory_space<hbm>> -> memref<40xf32, #tpu.memory_space<hbm>>
        %dma_start3A_497 = arith.constant 0 : i32
        %dma_start3A_498 = tpu.memref_slice %arg19[%dma_start3A_497] : memref<160xf32, #tpu.memory_space<vmem>> -> memref<40xf32, #tpu.memory_space<vmem>>
        tpu.enqueue_dma source(%dma_start3A_498 : memref<40xf32, #tpu.memory_space<vmem>>) target(%dma_start3A_496 : memref<40xf32, #tpu.memory_space<hbm>>) target_semaphore(%run_scoped3A_488 : memref<!tpu.dma_semaphore, #tpu.memory_space<semaphore_mem>>)
        %dma_wait3A_499 = arith.constant 0 : i32
        %dma_wait3A_500 = tpu.memref_slice %arg19[%dma_wait3A_499] : memref<160xf32, #tpu.memory_space<vmem>> -> memref<40xf32, #tpu.memory_space<vmem>>
        %dma_wait3A_501 = arith.constant 4960 : i32
        %dma_wait3A_502 = tpu.memref_slice %arg6[%run_scoped3A, %dma_wait3A_501] : memref<1x5000xf32, #tpu.memory_space<hbm>> -> memref<1x40xf32, #tpu.memory_space<hbm>>
        %dma_wait3A_503 = tpu.memref_squeeze %dma_wait3A_502 : memref<1x40xf32, #tpu.memory_space<hbm>> -> memref<40xf32, #tpu.memory_space<hbm>>
        %dma_wait3A_504 = arith.constant 4960 : i32
        %dma_wait3A_505 = tpu.memref_slice %arg6[%run_scoped3A, %dma_wait3A_504] : memref<1x5000xf32, #tpu.memory_space<hbm>> -> memref<1x40xf32, #tpu.memory_space<hbm>>
        %dma_wait3A_506 = tpu.memref_squeeze %dma_wait3A_505 : memref<1x40xf32, #tpu.memory_space<hbm>> -> memref<40xf32, #tpu.memory_space<hbm>>
        %dma_wait3A_507 = arith.constant 0 : i32
        %dma_wait3A_508 = tpu.memref_slice %arg19[%dma_wait3A_507] : memref<160xf32, #tpu.memory_space<vmem>> -> memref<40xf32, #tpu.memory_space<vmem>>
        tpu.wait_dma2 semaphore(%run_scoped3A_488 : memref<!tpu.dma_semaphore, #tpu.memory_space<semaphore_mem>>) src(%dma_wait3A_508 : memref<40xf32, #tpu.memory_space<vmem>>) dst(%dma_wait3A_506 : memref<40xf32, #tpu.memory_space<hbm>>)
        tpu.yield
      }) : () -> ()
      %run_scoped3A_486 = arith.constant 0 : i32
      "tpu.region"() ({
        %run_scoped3A_488 = tpu.sem_alloc : memref<!tpu.dma_semaphore, #tpu.memory_space<semaphore_mem>>
        %dma_start3A_489 = arith.constant 0 : i32
        %dma_start3A_490 = tpu.memref_slice %arg20[%dma_start3A_489] : memref<160xi32, #tpu.memory_space<vmem>> -> memref<40xi32, #tpu.memory_space<vmem>>
        %dma_start3A_491 = arith.constant 4960 : i32
        %dma_start3A_492 = tpu.memref_slice %arg7[%run_scoped3A_486, %dma_start3A_491] : memref<1x5000xi32, #tpu.memory_space<hbm>> -> memref<1x40xi32, #tpu.memory_space<hbm>>
        %dma_start3A_493 = tpu.memref_squeeze %dma_start3A_492 : memref<1x40xi32, #tpu.memory_space<hbm>> -> memref<40xi32, #tpu.memory_space<hbm>>
        %dma_start3A_494 = arith.constant 4960 : i32
        %dma_start3A_495 = tpu.memref_slice %arg7[%run_scoped3A_486, %dma_start3A_494] : memref<1x5000xi32, #tpu.memory_space<hbm>> -> memref<1x40xi32, #tpu.memory_space<hbm>>
        %dma_start3A_496 = tpu.memref_squeeze %dma_start3A_495 : memref<1x40xi32, #tpu.memory_space<hbm>> -> memref<40xi32, #tpu.memory_space<hbm>>
        %dma_start3A_497 = arith.constant 0 : i32
        %dma_start3A_498 = tpu.memref_slice %arg20[%dma_start3A_497] : memref<160xi32, #tpu.memory_space<vmem>> -> memref<40xi32, #tpu.memory_space<vmem>>
        tpu.enqueue_dma source(%dma_start3A_498 : memref<40xi32, #tpu.memory_space<vmem>>) target(%dma_start3A_496 : memref<40xi32, #tpu.memory_space<hbm>>) target_semaphore(%run_scoped3A_488 : memref<!tpu.dma_semaphore, #tpu.memory_space<semaphore_mem>>)
        %dma_wait3A_499 = arith.constant 0 : i32
        %dma_wait3A_500 = tpu.memref_slice %arg20[%dma_wait3A_499] : memref<160xi32, #tpu.memory_space<vmem>> -> memref<40xi32, #tpu.memory_space<vmem>>
        %dma_wait3A_501 = arith.constant 4960 : i32
        %dma_wait3A_502 = tpu.memref_slice %arg7[%run_scoped3A_486, %dma_wait3A_501] : memref<1x5000xi32, #tpu.memory_space<hbm>> -> memref<1x40xi32, #tpu.memory_space<hbm>>
        %dma_wait3A_503 = tpu.memref_squeeze %dma_wait3A_502 : memref<1x40xi32, #tpu.memory_space<hbm>> -> memref<40xi32, #tpu.memory_space<hbm>>
        %dma_wait3A_504 = arith.constant 4960 : i32
        %dma_wait3A_505 = tpu.memref_slice %arg7[%run_scoped3A_486, %dma_wait3A_504] : memref<1x5000xi32, #tpu.memory_space<hbm>> -> memref<1x40xi32, #tpu.memory_space<hbm>>
        %dma_wait3A_506 = tpu.memref_squeeze %dma_wait3A_505 : memref<1x40xi32, #tpu.memory_space<hbm>> -> memref<40xi32, #tpu.memory_space<hbm>>
        %dma_wait3A_507 = arith.constant 0 : i32
        %dma_wait3A_508 = tpu.memref_slice %arg20[%dma_wait3A_507] : memref<160xi32, #tpu.memory_space<vmem>> -> memref<40xi32, #tpu.memory_space<vmem>>
        tpu.wait_dma2 semaphore(%run_scoped3A_488 : memref<!tpu.dma_semaphore, #tpu.memory_space<semaphore_mem>>) src(%dma_wait3A_508 : memref<40xi32, #tpu.memory_space<vmem>>) dst(%dma_wait3A_506 : memref<40xi32, #tpu.memory_space<hbm>>)
        tpu.yield
      }) : () -> ()
      %run_scoped3A_487 = arith.constant 0 : i32
      "tpu.region"() ({
        %run_scoped3A_488 = tpu.sem_alloc : memref<!tpu.dma_semaphore, #tpu.memory_space<semaphore_mem>>
        %dma_start3A_489 = arith.constant 0 : i32
        %dma_start3A_490 = arith.constant 0 : i32
        %dma_start3A_491 = tpu.memref_slice %arg18[%dma_start3A_489, %dma_start3A_490] : memref<160x4xf32, #tpu.memory_space<vmem>> -> memref<40x4xf32, #tpu.memory_space<vmem>>
        %dma_start3A_492 = arith.constant 4960 : i32
        %dma_start3A_493 = arith.constant 0 : i32
        %dma_start3A_494 = tpu.memref_slice %arg5[%run_scoped3A_487, %dma_start3A_492, %dma_start3A_493] : memref<1x5000x4xf32, #tpu.memory_space<hbm>> -> memref<1x40x4xf32, #tpu.memory_space<hbm>>
        %dma_start3A_495 = tpu.memref_squeeze %dma_start3A_494 : memref<1x40x4xf32, #tpu.memory_space<hbm>> -> memref<40x4xf32, #tpu.memory_space<hbm>>
        %dma_start3A_496 = arith.constant 4960 : i32
        %dma_start3A_497 = arith.constant 0 : i32
        %dma_start3A_498 = tpu.memref_slice %arg5[%run_scoped3A_487, %dma_start3A_496, %dma_start3A_497] : memref<1x5000x4xf32, #tpu.memory_space<hbm>> -> memref<1x40x4xf32, #tpu.memory_space<hbm>>
        %dma_start3A_499 = tpu.memref_squeeze %dma_start3A_498 : memref<1x40x4xf32, #tpu.memory_space<hbm>> -> memref<40x4xf32, #tpu.memory_space<hbm>>
        %dma_start3A_500 = arith.constant 0 : i32
        %dma_start3A_501 = arith.constant 0 : i32
        %dma_start3A_502 = tpu.memref_slice %arg18[%dma_start3A_500, %dma_start3A_501] : memref<160x4xf32, #tpu.memory_space<vmem>> -> memref<40x4xf32, #tpu.memory_space<vmem>>
        tpu.enqueue_dma source(%dma_start3A_502 : memref<40x4xf32, #tpu.memory_space<vmem>>) target(%dma_start3A_499 : memref<40x4xf32, #tpu.memory_space<hbm>>) target_semaphore(%run_scoped3A_488 : memref<!tpu.dma_semaphore, #tpu.memory_space<semaphore_mem>>)
        %dma_wait3A_503 = arith.constant 0 : i32
        %dma_wait3A_504 = arith.constant 0 : i32
        %dma_wait3A_505 = tpu.memref_slice %arg18[%dma_wait3A_503, %dma_wait3A_504] : memref<160x4xf32, #tpu.memory_space<vmem>> -> memref<40x4xf32, #tpu.memory_space<vmem>>
        %dma_wait3A_506 = arith.constant 4960 : i32
        %dma_wait3A_507 = arith.constant 0 : i32
        %dma_wait3A_508 = tpu.memref_slice %arg5[%run_scoped3A_487, %dma_wait3A_506, %dma_wait3A_507] : memref<1x5000x4xf32, #tpu.memory_space<hbm>> -> memref<1x40x4xf32, #tpu.memory_space<hbm>>
        %dma_wait3A_509 = tpu.memref_squeeze %dma_wait3A_508 : memref<1x40x4xf32, #tpu.memory_space<hbm>> -> memref<40x4xf32, #tpu.memory_space<hbm>>
        %dma_wait3A_510 = arith.constant 4960 : i32
        %dma_wait3A_511 = arith.constant 0 : i32
        %dma_wait3A_512 = tpu.memref_slice %arg5[%run_scoped3A_487, %dma_wait3A_510, %dma_wait3A_511] : memref<1x5000x4xf32, #tpu.memory_space<hbm>> -> memref<1x40x4xf32, #tpu.memory_space<hbm>>
        %dma_wait3A_513 = tpu.memref_squeeze %dma_wait3A_512 : memref<1x40x4xf32, #tpu.memory_space<hbm>> -> memref<40x4xf32, #tpu.memory_space<hbm>>
        %dma_wait3A_514 = arith.constant 0 : i32
        %dma_wait3A_515 = arith.constant 0 : i32
        %dma_wait3A_516 = tpu.memref_slice %arg18[%dma_wait3A_514, %dma_wait3A_515] : memref<160x4xf32, #tpu.memory_space<vmem>> -> memref<40x4xf32, #tpu.memory_space<vmem>>
        tpu.wait_dma2 semaphore(%run_scoped3A_488 : memref<!tpu.dma_semaphore, #tpu.memory_space<semaphore_mem>>) src(%dma_wait3A_516 : memref<40x4xf32, #tpu.memory_space<vmem>>) dst(%dma_wait3A_513 : memref<40x4xf32, #tpu.memory_space<hbm>>)
        tpu.yield
      }) : () -> ()
    } else {
    }
    return
  }
}

</mosaic_0001>

<sc_bundles>
// kernel: kernel.3.cloned.1.call-start
scs
__scs_entry_jumppad:
0x0: {  	(pc) =	sbr.rel $0x88, $3  }
0x1: {  	(tag) =	ssettag $0x0;
	lr =	simm.s32 $0x1  }
0x2: {  	[smem:$0x3F9E] =	sst lr;
	_ =	strace $0xD0000000  }
0x3: {  	_ = 	snop  }
0x4: {  	_ = 	snop  }
0x5: {  	_ = 	snop  }
0x6: {  	_ = 	snop  }
0x7: {  	_ = 	snop  }
__scs_overlays_trampoline_lowered:
0x8: {  	[smem:$0x3FAD] =	sst s0  }
0x9: {  	[smem:$0x3FAE] =	sst s1  }
0xa: {  	[smem:$0x3FAF] =	sst s2  }
0xb: {  	[smem:$0x3FB0] =	sst s3  }
0xc: {  	[smem:$0x3FB1] =	sst s4  }
0xd: {  	[smem:$0x3FB2] =	sst s5  }
0xe: {  	[smem:$0x3FB3] =	sst s6  }
0xf: {  	[smem:$0x3FB4] =	sst s7  }
0x10: {  	[smem:$0x3FB5] =	sst s8  }
0x11: {  	[smem:$0x3FB6] =	sst s9;
	s0 =	simm.s32 @!p0 $0x0  }
0x12: {  	s1 =	sld [smem:$0x3F9C];
	s0 =	simm.s32 @p0 $0x1  }
0x13: {  	[smem:$0x3FB7] =	sst s0;
	s0 =	simm.s32 @!p1 $0x0  }
0x14: {  	s2 =	sld [smem:$0x3F9B];
	s0 =	simm.s32 @p1 $0x1  }
0x15: {  	[smem:$0x3FB8] =	sst s0;
	s0 =	simm.s32 @!p2 $0x0  }
0x16: {  	s3 =	sld [smem:$0x3FDB];
	s0 =	simm.s32 @p2 $0x1  }
0x17: {  	s4 =	simm.s32 $0x1BF5;
	[smem:$0x3FBA] =	sst s0  }
0x18: {  	s0 =	sld [smem:$0x3F9D];
	_ =	swait.ge [sflag:s4], $0x0  }
0x19: {  	s7 =	sld [smem:$0x3F9E]  }
0x1a: {  	s8 =	sadd.s32 $0xFFFFE003, lr  }
0x1b: {  	s9 =	sadd.s32 $0xFFFFFEF7, lr;
	s5 =	simm.s32 $0xFFFFFFFF;
	p2 =	slt.u32 s8, $0xFFFFF086  }
0x1c: {  	p1 =	slt.u32 s9, $0xF7A;
	s5 =	simm.s32 @!p2 $0x0  }
0x1d: {  	s5 =	simm.s32 @p1 $0x1;
	p0 =	seq.s32 s7, s2  }
0x1e: {  	s7 =	smul.u32 @!p0 $0xF7A, s2;
	p2 =	seq.s32 @!p0 s5, $0x0  }
0x1f: {  	s9 =	smul.u32 $0xF7A, s1;
	s8 =	simm.s32 @!p0 $0x1BF5;
	p2 =	por !p2, p0  }
0x20: {  	[sflag:s8] =	ssyncset.s32 @!p0 $0xFFFFF086;
	s6 =	sadd.s32 @!p0 s3, s7;
	s7 =	simm.s32 @!p0 $0x108  }
0x21: {  	s3 =	sadd.s32 s3, s9;
	s6 =	sadd.s32 @!p0 $0x88, s6;
	s7 =	simm.s32 @p2 $0x1082  }
0x22: {  	[simem:s7], [sflag:s8] =	dma.local @!p0 [hbm:s6], $0xF7A  }
0x23: {  	s9 =	sor.u32 $0xD0000000, s2;
	s6 =	simm.s32 $0x108;
	_ =	swait.ge @!p0 [sflag:s8], $0x0  }
0x24: {  	s3 =	sadd.s32 $0x88, s3;
	s6 =	simm.s32 @!p1 $0x1082;
	[sflag:s4] =	ssyncset.s32 $0xFFFFF086  }
0x25: {  	[simem:s6], [sflag:s4] =	dma.local [hbm:s3], $0xF7A  }
0x26: {  	[smem:$0x3F9E] =	sst s1;
	(tag) =	ssettag s2;
	_ =	strace s9  }
0x27: {  	s1 =	sld [smem:$0x3FAE]  }
0x28: {  	s2 =	sld [smem:$0x3FAF]  }
0x29: {  	s4 =	sld [smem:$0x3FB1]  }
0x2a: {  	p0 =	seq.s32 s5, $0x0;
	s5 =	sld [smem:$0x3FB2]  }
0x2b: {  	s6 =	sld [smem:$0x3FB3]  }
0x2c: {  	s7 =	sld [smem:$0x3FB4]  }
0x2d: {  	s3 =	simm.s32 $0x108;
	s8 =	sld [smem:$0x3FB5]  }
0x2e: {  	s3 =	simm.s32 @!p0 $0x1082;
	s9 =	sld [smem:$0x3FB6]  }
0x2f: {  	lr =	sadd.s32 s0, s3;
	s0 =	sld [smem:$0x3FAD]  }
0x30: {  	s3 =	sld [smem:$0x3FB0]  }
0x31: {  	[smem:$0x3FB9] =	sst s10  }
0x32: {  	s10 =	sld [smem:$0x3FB7];
	_ =	sdelay $0x3  }
0x33: {  	p0 =	seq.s32 s10, $0x1;
	s10 =	sld [smem:$0x3FB9];
	_ =	sdelay $0x3  }
0x34: {  	[smem:$0x3FB9] =	sst s10  }
0x35: {  	s10 =	sld [smem:$0x3FB8];
	_ =	sdelay $0x3  }
0x36: {  	p1 =	seq.s32 s10, $0x1;
	s10 =	sld [smem:$0x3FB9];
	_ =	sdelay $0x3  }
0x37: {  	[smem:$0x3FB9] =	sst s10  }
0x38: {  	s10 =	sld [smem:$0x3FBA]  }
0x39: {  	_ = 	snop;
	(pc) =	sbr.ind lr, $3  }
0x3a: {  	_ = 	snop  }
0x3b: {  	_ = 	snop  }
0x3c: {  	p2 =	seq.s32 s10, $0x1;
	s10 =	sld [smem:$0x3FB9]  }
0x3d: {  	_ =	shalt  }
0x3e: {  	_ =	shalt  }
0x3f: {  	_ =	shalt  }
0x40: {  	_ =	shalt  }
0x41: {  	_ =	shalt  }
0x42: {  	_ =	shalt  }
0x43: {  	_ =	shalt  }
0x44: {  	_ =	shalt  }
0x45: {  	_ =	shalt  }
0x46: {  	_ =	shalt  }
0x47: {  	_ =	shalt  }
0x48: {  	_ =	shalt  }
0x49: {  	_ =	shalt  }
0x4a: {  	_ =	shalt  }
0x4b: {  	_ =	shalt  }
0x4c: {  	_ =	shalt  }
0x4d: {  	_ =	shalt  }
0x4e: {  	_ =	shalt  }
0x4f: {  	_ =	shalt  }
0x50: {  	_ =	shalt  }
0x51: {  	_ =	shalt  }
0x52: {  	_ =	shalt  }
0x53: {  	_ =	shalt  }
0x54: {  	_ =	shalt  }
0x55: {  	_ =	shalt  }
0x56: {  	_ =	shalt  }
0x57: {  	_ =	shalt  }
0x58: {  	_ =	shalt  }
0x59: {  	_ =	shalt  }
0x5a: {  	_ =	shalt  }
0x5b: {  	_ =	shalt  }
0x5c: {  	_ =	shalt  }
0x5d: {  	_ =	shalt  }
0x5e: {  	_ =	shalt  }
0x5f: {  	_ =	shalt  }
0x60: {  	_ =	shalt  }
0x61: {  	_ =	shalt  }
0x62: {  	_ =	shalt  }
0x63: {  	_ =	shalt  }
0x64: {  	_ =	shalt  }
0x65: {  	_ =	shalt  }
0x66: {  	_ =	shalt  }
0x67: {  	_ =	shalt  }
0x68: {  	_ =	shalt  }
0x69: {  	_ =	shalt  }
0x6a: {  	_ =	shalt  }
0x6b: {  	_ =	shalt  }
0x6c: {  	_ =	shalt  }
0x6d: {  	_ =	shalt  }
0x6e: {  	_ =	shalt  }
0x6f: {  	_ =	shalt  }
0x70: {  	_ =	shalt  }
0x71: {  	_ =	shalt  }
0x72: {  	_ =	shalt  }
0x73: {  	_ =	shalt  }
0x74: {  	_ =	shalt  }
0x75: {  	_ =	shalt  }
0x76: {  	_ =	shalt  }
0x77: {  	_ =	shalt  }
0x78: {  	_ =	shalt  }
0x79: {  	_ =	shalt  }
0x7a: {  	_ =	shalt  }
0x7b: {  	_ =	shalt  }
0x7c: {  	_ =	shalt  }
0x7d: {  	_ =	shalt  }
0x7e: {  	_ =	shalt  }
0x7f: {  	_ =	shalt  }
0x80: {  	_ =	shalt  }
0x81: {  	_ =	shalt  }
0x82: {  	_ =	shalt  }
0x83: {  	_ =	shalt  }
0x84: {  	_ =	shalt  }
0x85: {  	_ =	shalt  }
0x86: {  	_ =	shalt  }
0x87: {  	_ =	shalt  }
.Lfunc_end0:
.L_simem_size_0:
called_computation_lowered:
.L_overlay_start_0:
0x88: {  	s2 =	sld [smem:$0x3FD9]  }
0x89: {  	s3 =	sld [smem:$0x3FFE];
	_ =	sdelay $0x1  }
0x8a: {  	s1 =	srdreg.scid  }
0x8b: {  	s0 =	sand.u32 $0x1, s1  }
0x8c: {  	s14 =	sshll.u32 s0, $0xA;
	s2 =	sadd.s32 s3, s2  }
0x8d: {  	s2 =	sadd.s32 s2, s14  }
0x8e: {  	[smem:$0x3FC5] =	sst s2  }
0x8f: {  	_ = 	snop  }
0x90: {  	s2 =	sld [smem:$0x3FD0];
	_ =	sdelay $0x2  }
0x91: {  	s15 =	simm.s32 $0xA;
	s4 =	simm.s32 $0x10  }
0x92: {  	[smem:s4], [sflag:s15] =	dma.local [hbm:s2], $0x1  }
0x93: {  	_ =	swait.eq [sflag:s15], $0x1  }
0x94: {  	s16 =	sld [smem:$0x10];
	[sflag:s15] =	ssyncset.done $0x0  }
0x95: {  	s17 =	sld [smem:$0x11];
	[sflag:s15] =	ssyncadd.s32 $0xFFFFFFFF  }
0x96: {  	s18 =	sld [smem:$0x12];
	(tm) =	ssettm $0x1  }
0x97: {  	s5 =	sld [smem:$0x3FFB];
	_ =	sdelay $0x3  }
0x98: {  	_ =	strace s5  }
0x99: {  	s5 =	sld [smem:$0x3FFC];
	_ =	sdelay $0x3  }
0x9a: {  	_ =	strace s5  }
0x9b: {  	s5 =	sld [smem:$0x3FFD];
	_ =	sdelay $0x3  }
0x9c: {  	_ =	strace s5  }
0x9d: {  	_ =	strace $0x8FFFFFFF  }
0x9e: {  	s19 =	sld [smem:$0x3FDB];
	_ =	sdelay $0x1  }
0x9f: {  	s6 =	simm.s32 $_scs_section_size  }
0xa0: {  	s7 =	simm.s32 $_size__tile_overlayer_lowered;
	s8 =	simm.s32 $_tile_overlayer_lowered  }
0xa1: {  	s22 =	simm.s32 $0x1BFF;
	s21 =	sshll.u32 s8, $0x1;
	s5 =	sadd.s32 s6, s19  }
0xa2: {  	s9 =	simm.s32 $0x0;
	s20 =	sshll.u32 s7, $0x1;
	s7 =	sadd.s32 s21, s5  }
0xa3: {  	[timem:s9], [sflag:s22] =	dma.local [hbm:s7], s20  }
0xa4: {  	_ =	swait.ge [sflag:s22], s20  }
0xa5: {  	s6 =	ssub.s32 $0x0, s20;
	[sflag:s22] =	ssyncset.done $0x0  }
0xa6: {  	[sflag:s22] =	ssyncadd.s32 s6;
	_ =	sdelay $0x1  }
0xa7: {  	s23 =	simm.s32 $0x1B8B  }
0xa8: {  	_ =	swait.ge [sflag:s23], $0x1  }
0xa9: {  	[sflag:s23] =	ssyncset.done $0x0  }
0xaa: {  	s25 =	simm.s32 $0x1B8E;
	s24 =	sld [smem:$0x3FFE];
	[sflag:s23] =	ssyncadd.s32 $0xFFFFFFFF  }
0xab: {  	s26 =	simm.s32 $execute0_lowered;
	[smem:$0x3FD2] =	sst s25  }
0xac: {  	s7 =	sshll.u32 s26, $0x1;
	_ =	strace $0x80000046;
	[dreg:$0x1] =	wrdreg $0xFFFFFFFF  }
0xad: {  	s28 =	simm.s32 $_size_execute0_lowered;
	s5 =	sadd.s32 s5, s7;
	[dreg:$0x0] =	wrdreg $0x0  }
0xae: {  	s7 =	sshll.u32 s28, $0x1;
	[dreg:$0x2] =	wrdreg s5  }
0xaf: {  	[dreg:$0x3] =	wrdreg s7  }
0xb0: {  	[dreg:$0x4] =	wrdreg $0xC0  }
0xb1: {  	_ =	task [dreg:s9], $0x5FFFF  }
0xb2: {  	[dreg:$0x1] =	wrdreg $0xFFFFFFFF  }
0xb3: {  	[dreg:$0x0] =	wrdreg $0x60  }
0xb4: {  	[dreg:$0x2] =	wrdreg s16  }
0xb5: {  	[dreg:$0x3] =	wrdreg s24  }
0xb6: {  	[dreg:$0x4] =	wrdreg s17  }
0xb7: {  	[dreg:$0x5] =	wrdreg s18  }
0xb8: {  	[dreg:$0x6] =	wrdreg $0xC7100  }
0xb9: {  	[dreg:$0x7] =	wrdreg $0xD1100  }
0xba: {  	[dreg:$0x8] =	wrdreg $0x9  }
0xbb: {  	_ =	task.clear_ibuf [dreg:s9], $0x9FFFF;
	_ =	strace $0x90000046  }
0xbc: {  	s29 =	simm.s32 $0x9;
	_ =	strace $0x80000048  }
0xbd: {  	_ =	swait.ge [sflag:s29], $0x1  }
0xbe: {  	[sflag:s29] =	ssyncadd.s32 $0xFFFFFFFF  }
0xbf: {  	_ =	strace $0x90000048  }
0xc0: {  	_ =	sfence  }
0xc1: {  	s30 =	sld [smem:$0x0];
	_ =	sdelay $0x2  }
0xc2: {  	s31 =	sshll.u32 s1, $0xD;
	s1 =	sshrl.u32 s1, $0x2  }
0xc3: {  	s3 =	sand.u32 $0x4000, s31;
	s1 =	sadd.s32 s1, s30  }
0xc4: {  	s0 =	sor.u32 s3, s0;
	s1 =	sshll.u32 s1, $0x11  }
0xc5: {  	s0 =	sor.u32 s1, s0  }
0xc6: {  	s0 =	sadd.s32 $0x8F2B, s0  }
0xc7: {  	[sflag:s0] =	ssyncadd.remote.s32 $0x1  }
0xc8: {  	_ =	sfence.sel $0xFFFF  }
0xc9: {  	[dreg:$0x0] =	wrdreg $0xFFFFFFFF;
	(pc) =	sbr.abs _section_cstart, $3  }
0xca: {  	[dreg:$0x1] =	wrdreg $0xFFFFFFFF  }
0xcb: {  	_ =	task.clear_ibuf [dreg:s9], $0x2FFFF;
	_ =	strace $0x9FFFFFFF  }
0xcc: {  	(tm) =	ssettm $0x7FFFFFFF  }
0xcd: {  	_ =	shalt  }
tec
execute0_lowered:
.L_overlay_start_1:
0x0: {  	(tag) =	ssettag $0x1  }
0x1: {  	s8 =	rddreg [dreg:$0x0]  }
0x2: {  	s0 =	rddreg [dreg:$0x1]  }
0x3: {  	s1 =	rddreg [dreg:$0x2]  }
0x4: {  	s5 =	rddreg [dreg:$0x3];
	s16 =	stileid.u32  }
0x5: {  	s3 =	srdreg.scid;
	s4 =	smul.u32 $0x1482, s16  }
0x6: {  	s7 =	rddreg [dreg:$0x4];
	s9 =	sand.u32 $0x1, s3;
	s3 =	smul.u32 $0xA0, s16  }
0x7: {  	s6 =	rddreg [dreg:$0x5];
	s2 =	simm.s32 $0x0;
	s14 =	smul.u32 $0xA00, s16  }
0x8: {  	s28 =	simm.s32 $0x2;
	[smem:$0x7FF] =	sst s2;
	s10 =	smul.u32 $0xA00, s9  }
0x9: {  	_ =	strace $0x80000047;
	s11 =	ssub.s32 $0x2, s9;
	p0 =	seq.s32 s9, $0x1  }
0xa: {  	s12 =	sadd.s32 s4, s0;
	s24 =	sshrl.u32 s11, $0x1;
	s18 =	sadd.s32 $0x1E00, s3  }
0xb: {  	s21 =	sadd.s32 $0x3200, s3;
	s13 =	sadd.s32 s3, s10;
	s26 =	sadd.s32 $0xA00, s12  }
0xc: {  	s20 =	ssub.s32 s11, s24;
	s11 =	sadd.s32 s14, s6;
	[dreg:$0x7] =	wrdreg s26  }
0xd: {  	s25 =	smin.u32 s10, $0x988;
	s24 =	sadd.s32 s18, s7;
	[dreg:$0xa] =	wrdreg s11  }
0xe: {  	s12 =	sadd.s32 $0xA00, s3;
	s9 =	sadd.s32 s21, s7;
	[dreg:$0xf] =	wrdreg s24  }
0xf: {  	s4 =	ssub.s32 s10, s25;
	s10 =	sadd.s32 s14, s7;
	[dreg:$0x13] =	wrdreg s9  }
0x10: {  	s19 =	sadd.s32 $0x2800, s3;
	s17 =	sadd.s32 s12, s7;
	[dreg:$0x9] =	wrdreg s10  }
0x11: {  	s31 =	sshrl.u32 s25, $0x3;
	s25 =	sadd.s32 s18, s6;
	[dreg:$0xb] =	wrdreg s17  }
0x12: {  	s15 =	sadd.s32 $0x3C00, s3;
	s26 =	sadd.s32 s19, s7;
	[dreg:$0x10] =	wrdreg s25  }
0x13: {  	s29 =	simm.s32 $0xEF10;
	s11 =	sadd.s32 s15, s7;
	[dreg:$0x11] =	wrdreg s26  }
0x14: {  	s14 =	sadd.s32 $0x1400, s3;
	s8 =	sadd.s32 s8, s31;
	[dreg:$0x15] =	wrdreg s11  }
0x15: {  	s30 =	simm.s32 $0x0;
	s22 =	sadd.s32 s14, s7;
	[dreg:$0x8] =	wrdreg s8  }
0x16: {  	p1 =	seq.s32 s16, $0xF;
	s23 =	sadd.s32 s14, s6;
	[dreg:$0xd] =	wrdreg s22  }
0x17: {  	p0 =	por !p1, !p0;
	s31 =	sadd.s32 s19, s6;
	[dreg:$0xe] =	wrdreg s23  }
0x18: {  	p0 =	por !p0, !p0;
	s10 =	sadd.s32 s21, s6;
	[dreg:$0x12] =	wrdreg s31  }
0x19: {  	s20 =	smax.u32 s20, $0x1;
	s8 =	sadd.s32 s12, s6;
	[dreg:$0x14] =	wrdreg s10  }
0x1a: {  	s14 =	sadd.s32 $0x4600, s3;
	s12 =	sadd.s32 s15, s6;
	[dreg:$0xc] =	wrdreg s8  }
0x1b: {  	s21 =	sadd.s32 $0x5A00, s3;
	s17 =	sadd.s32 s14, s7;
	[dreg:$0x16] =	wrdreg s12  }
0x1c: {  	s26 =	sadd.s32 $0x6E00, s3;
	s23 =	sadd.s32 s21, s7;
	[dreg:$0x17] =	wrdreg s17  }
0x1d: {  	s15 =	sor.u32 $0x5000, s3;
	s11 =	sadd.s32 s26, s7;
	[dreg:$0x1b] =	wrdreg s23  }
0x1e: {  	s22 =	sadd.s32 $0x6400, s3;
	s8 =	sadd.s32 s14, s6;
	[dreg:$0x1f] =	wrdreg s11  }
0x1f: {  	s31 =	sadd.s32 $0x7800, s3;
	s18 =	sadd.s32 s15, s7;
	[dreg:$0x18] =	wrdreg s8  }
0x20: {  	s19 =	sadd.s32 s15, s6;
	s24 =	sadd.s32 s22, s7;
	[dreg:$0x19] =	wrdreg s18  }
0x21: {  	s25 =	sadd.s32 s22, s6;
	s12 =	sadd.s32 s31, s7;
	[dreg:$0x1a] =	wrdreg s19  }
0x22: {  	s14 =	sadd.s32 s31, s6;
	s15 =	sadd.s32 $0x8200, s3;
	[dreg:$0x1d] =	wrdreg s24  }
0x23: {  	s17 =	sadd.s32 $0x8C00, s3;
	s22 =	sadd.s32 $0x9600, s3;
	[dreg:$0x1e] =	wrdreg s25  }
0x24: {  	s23 =	sadd.s32 s3, s7;
	s8 =	sadd.s32 s21, s6;
	[smem:$0x7F7] =	sst s12  }
0x25: {  	v0 =	vimm.f32 $6.400000000e+02;
	[smem:$0x7F8] =	sst s14;
	s18 =	sadd.s32 s15, s7;
	s19 =	sadd.s32 s17, s7  }
0x26: {  	(erf) = vrcp.f32 v0;
	v0 =	vimm.f32 $4.800000000e+02;
	s21 =	sadd.s32 s17, s6;
	[smem:$0x7FD] =	sst s23;
	s10 =	sadd.s32 s22, s7  }
0x27: {  	(erf) = vrcp.f32 v0;
	s11 =	sadd.s32 s22, s6;
	s24 =	sadd.s32 s13, s0;
	[dreg:$0x1c] =	wrdreg s8  }
0x28: {  	s25 =	sshrl.u32 s13, $0x3;
	s12 =	sadd.s32 s3, s6;
	[smem:$0x7F9] =	sst s18  }
0x29: {  	s17 =	sadd.s32 $0x26C, s5;
	s22 =	simm.s32 $0x4;
	[smem:$0x7FB] =	sst s19  }
0x2a: {  	s23 =	simm.s32 $0xA00;
	s8 =	sadd.s32 s26, s6;
	[smem:$0x7FC] =	sst s21  }
0x2b: {  	s13 =	sadd.s32 s1, s25;
	s14 =	sadd.s32 s5, s25;
	s26 =	smul.u32 $0x5, s16  }
0x2c: {  	s16 =	sadd.s32 $0x26C, s1;
	s18 =	sadd.s32 $0x15400, s0;
	s19 =	sadd.s32 $0x17960, s0  }
0x2d: {  	s21 =	simm.s32 $0xF00;
	[smem:$0x7F6] =	sst s8;
	s8 =	sadd.s32 s15, s6  }
0x2e: {  	v4 =	vlaneseq.u32;
	s25 =	simm.s32 $0x1;
	[smem:$0x7FA] =	sst s8;
	s7 =	sadd.s32 $0x1, s26  }
0x2f: {  	v8 =	vmul.u32 $0x4, v4;
	s8 =	sadd.s32 $0x2, s26;
	s9 =	sadd.s32 $0x3, s26;
	s31 =	sadd.s32 $0x4, s26;
	v0 =	vmov s26;
	v3 =	vpop (erf);
	v1 =	vmov s7  }
0x30: {  	s15 =	sadd.s32 $0x16600, s24;
	s24 =	simm.s32 $0xC80;
	s26 =	simm.s32 $0x3;
	v2 =	vmov s8;
	v5 =	vmov s9;
	v6 =	vmov s31;
	v7 =	vpop (erf)  }
.LBB2_1:
0x31: {  	s0 =	sadd.s32 $0x0, s3  }
0x32: {  	s0 =	sadd.s32 s4, s0  }
0x33: {  	s7 =	rddreg [dreg:$0x7];
	v9 =	vadd.s32 s0, v4  }
0x34: {  	[tilespmem:s21], [sflag:$0x1] =	stream.linear.gather [hbm4b:s7+s2], $0xA410, $0x38;
	vm0 =	vlt.s32 v9, $0x9FF;
	[tilespmem:$0xF550] =	vst v63  }
0x35: {  	s8 =	rddreg [dreg:$0x8];
	v9 =	vnsel vm0, $0x9FF, v9  }
0x36: {  	[tilespmem:s2], [sflag:$0x4] =	stream.linear.gather [hbm4b:s8+s2], $0xA00, $0x38;
	[tilespmem:$0xF550] =	vst v63  }
0x37: {  	s9 =	sadd.s32 $0x10, s3;
	_ =	swait.ge [sflag:s22], $0xA00  }
0x38: {  	v10 =	vmov s2;
	s0 =	sadd.s32 s4, s9;
	[sflag:s22] =	ssyncset.done $0x0  }
0x39: {  	v10 =	vshll.u32 v10, $0x2;
	v11 =	vadd.s32 s0, v4;
	[sflag:s22] =	ssyncadd.s32 $0xFFFFF600  }
0x3a: {  	v10 =	vor.u32 v8, v10;
	vm14 =	vlt.s32 v11, $0x9FF;
	v14 =	vld.idx.msk [tilespmem:v9+s2+$0x0], $0xffff  }
0x3b: {  	v12 =	vor.u32 $0x1, v10;
	v13 =	vnsel vm14, $0x9FF, v11  }
0x3c: {  	s1 =	sadd.s32 $0x20, s3;
	v15 =	vor.u32 $0x2, v10  }
0x3d: {  	s31 =	simm.s32 $0x10;
	s1 =	sadd.s32 s4, s1;
	v9 =	vor.u32 $0x3, v10  }
0x3e: {  	v16 =	vadd.s32 s1, v4;
	v11 =	vmov s31  }
0x3f: {  	vm15 =	vlt.s32 v16, $0x9FF;
	v11 =	vshll.u32 v11, $0x2;
	[tilespmem:v10+s23+$0x0] =	vst.idx.msk $0xffff, v14;
	v10 =	vadd.s32 $0x20D0, v14  }
0x40: {  	v11 =	vor.u32 v8, v11;
	v17 =	vadd.s32 $0x41A0, v14;
	[tilespmem:v12+s23+$0x0] =	vst.idx.msk $0xffff, v10;
	v10 =	vld.idx.msk [tilespmem:v13+s2+$0x0], $0xffff;
	v13 =	vnsel vm15, $0x9FF, v16  }
0x41: {  	s1 =	simm.s32 $0x30;
	s0 =	simm.s32 $0x20;
	v14 =	vadd.s32 $0x6270, v14;
	v12 =	vor.u32 $0x1, v11;
	[tilespmem:v15+s23+$0x0] =	vst.idx.msk $0xffff, v17  }
.LBB2_2:
0x42: {  	s5 =	sadd.s32 s1, s3;
	v15 =	vor.u32 $0x2, v11;
	[tilespmem:v9+s23+$0x0] =	vst.idx.msk $0xffff, v14;
	p1 =	sne.s32 s1, $0x90  }
.Ltmp0:
0x43: {  	v9 =	vor.u32 $0x3, v11;
	s5 =	sadd.s32 s4, s5;
	(pc) =	sbr.rel @p1 .LBB2_2-.Ltmp0, $4  }
0x44: {  	v16 =	vmov s0;
	s0 =	smov.u32 s1;
	s1 =	sadd.s32 $0x10, s1;
	v14 =	vadd.s32 s5, v4  }
0x45: {  	v16 =	vshll.u32 v16, $0x2;
	v17 =	vadd.s32 $0x20D0, v10;
	v18 =	vmovc v10;
	vm0 =	vlt.s32 v14, $0x9FF;
	[tilespmem:v11+s23+$0x0] =	vst.idx.msk $0xffff, v10;
	v10 =	vld.idx.msk [tilespmem:v13+s2+$0x0], $0xffff  }
0x46: {  	v11 =	vor.u32 v8, v16;
	v13 =	vnsel vm0, $0x9FF, v14;
	[tilespmem:v12+s23+$0x0] =	vst.idx.msk $0xffff, v17;
	v14 =	vadd.s32 $0x41A0, v18  }
0x47: {  	v12 =	vor.u32 $0x1, v11;
	[tilespmem:v15+s23+$0x0] =	vst.idx.msk $0xffff, v14;
	v14 =	vadd.s32 $0x6270, v18  }
0x48: {  	_ =	sdelay $0x1  }
0x49: {  	v15 =	vor.u32 $0x2, v11;
	v16 =	vmov s0  }
0x4a: {  	v17 =	vor.u32 $0x3, v11;
	v16 =	vshll.u32 v16, $0x2  }
0x4b: {  	[tilespmem:v9+s23+$0x0] =	vst.idx.msk $0xffff, v14;
	v9 =	vld.idx.msk [tilespmem:v13+s2+$0x0], $0xffff;
	v13 =	vor.u32 v8, v16  }
0x4c: {  	[tilespmem:v11+s23+$0x0] =	vst.idx.msk $0xffff, v10;
	v11 =	vadd.s32 $0x20D0, v10;
	v14 =	vor.u32 $0x1, v13  }
0x4d: {  	[tilespmem:v12+s23+$0x0] =	vst.idx.msk $0xffff, v11;
	v11 =	vadd.s32 $0x41A0, v10;
	v12 =	vor.u32 $0x2, v13  }
0x4e: {  	v10 =	vadd.s32 $0x6270, v10;
	[tilespmem:v15+s23+$0x0] =	vst.idx.msk $0xffff, v11;
	v11 =	vor.u32 $0x3, v13  }
0x4f: {  	s7 =	sadd.s32 $0x10, s4;
	[tilespmem:v17+s23+$0x0] =	vst.idx.msk $0xffff, v10  }
0x50: {  	s1 =	sadd.s32 $0xFFFFFFF0, s7;
	v10 =	vadd.s32 $0x20D0, v9;
	[tilespmem:v13+s23+$0x0] =	vst.idx.msk $0xffff, v9  }
0x51: {  	v13 =	vadd.s32 s1, v4;
	[tilespmem:v14+s23+$0x0] =	vst.idx.msk $0xffff, v10;
	v10 =	vadd.s32 $0x41A0, v9  }
0x52: {  	v9 =	vadd.s32 $0x6270, v9;
	vm0 =	vlt.s32 v13, $0x9FF;
	[tilespmem:v12+s23+$0x0] =	vst.idx.msk $0xffff, v10;
	v10 =	vadd.s32 s7, v4  }
0x53: {  	s8 =	simm.s32 $0x280;
	s9 =	sadd.s32 $0x30, s4;
	[tilespmem:v11+s23+$0x0] =	vst.idx.msk $0xffff, v9;
	vm1 =	vlt.s32 v10, $0x9FF;
	v9 =	vnsel vm0, $0x9FF, v13  }
0x54: {  	[tilespmem:s24], [sflag:$0x2] =	stream.indirect.gather [hbm4b:s18+s8], $0x1, s23, s8, $0xb8;
	v10 =	vnsel vm1, $0x9FF, v10;
	[tilespmem:$0xF550] =	vst v63  }
0x55: {  	s5 =	sadd.s32 $0xFFFFFFF0, s9;
	_ =	swait.ge [sflag:s25], $0xA410  }
0x56: {  	v11 =	vadd.s32 s5, v4;
	[sflag:s25] =	ssyncset.done $0x0  }
0x57: {  	vm0 =	vlt.s32 v11, $0x9FF;
	[sflag:s25] =	ssyncadd.s32 $0xFFFF5BF0  }
0x58: {  	v13 =	vadd.s32 s9, v4;
	v11 =	vnsel vm0, $0x9FF, v11;
	v9 =	vld.idx.msk [tilespmem:v9+s2+$0x0], $0xffff  }
0x59: {  	vm0 =	vlt.s32 v13, $0x9FF;
	v10 =	vld.idx.msk [tilespmem:v10+s2+$0x0], $0xffff  }
0x5a: {  	v13 =	vnsel vm0, $0x9FF, v13;
	_ =	sdelay $0x2  }
0x5b: {  	v11 =	vld.idx.msk [tilespmem:v11+s2+$0x0], $0xffff;
	v12 =	vadd.s32 $0x20D0, v9  }
0x5c: {  	v14 =	vadd.s32 $0x41A0, v9  }
0x5d: {  	v13 =	vld.idx.msk [tilespmem:v13+s2+$0x0], $0xffff;
	v17 =	vadd.s32 $0x6270, v9  }
0x5e: {  	v16 =	vld.idx.msk [tilespmem:v9+s21+$0x0], $0xffff  }
0x5f: {  	v18 =	vadd.s32 $0x20D0, v10;
	v15 =	vld.idx.msk [tilespmem:v10+s21+$0x0], $0xffff  }
0x60: {  	v19 =	vadd.s32 $0x41A0, v10;
	v20 =	vadd.s32 $0x6270, v10;
	v10 =	vadd.s32 $0x8340, v10;
	v12 =	vld.idx.msk [tilespmem:v12+s21+$0x0], $0xffff  }
0x61: {  	v14 =	vld.idx.msk [tilespmem:v14+s21+$0x0], $0xffff  }
0x62: {  	s6 =	sadd.s32 $0x50, s4;
	v17 =	vld.idx.msk [tilespmem:v17+s21+$0x0], $0xffff  }
0x63: {  	s7 =	sadd.s32 $0xFFFFFFF0, s6;
	v9 =	vadd.s32 $0x8340, v9;
	v24 =	vld.idx.msk [tilespmem:v11+s21+$0x0], $0xffff  }
0x64: {  	v23 =	vadd.s32 s6, v4;
	v21 =	vadd.s32 s7, v4;
	v22 =	vadd.s32 $0x20D0, v11;
	v18 =	vld.idx.msk [tilespmem:v18+s21+$0x0], $0xffff  }
0x65: {  	vm1 =	vlt.s32 v21, $0x9FF;
	v25 =	vld.idx.msk [tilespmem:v10+s21+$0x0], $0xffff;
	v10 =	vadd.s32 $0x20D0, v13;
	vm0 =	vgt.f32 v12, v16  }
0x66: {  	v12 =	vsel vm0, v12, v16;
	v16 =	vld.idx.msk [tilespmem:v19+s21+$0x0], $0xffff;
	v19 =	vnsel vm1, $0x9FF, v21;
	vm1 =	vlt.s32 v23, $0x9FF  }
0x67: {  	v20 =	vld.idx.msk [tilespmem:v20+s21+$0x0], $0xffff;
	vm2 =	vgt.f32 v14, v12;
	v23 =	vnsel vm1, $0x9FF, v23  }
0x68: {  	v9 =	vld.idx.msk [tilespmem:v9+s21+$0x0], $0xffff;
	v21 =	vadd.s32 $0x41A0, v11;
	v26 =	vsel vm0, v1, v0;
	v12 =	vsel vm2, v14, v12  }
0x69: {  	s8 =	sadd.s32 $0x70, s4;
	v22 =	vld.idx.msk [tilespmem:v22+s21+$0x0], $0xffff;
	v26 =	vsel vm2, v2, v26;
	vm1 =	vgt.f32 v17, v12  }
0x6a: {  	s9 =	sadd.s32 $0xFFFFFFF0, s8;
	vm2 =	vgt.f32 v18, v15;
	v30 =	vld.idx.msk [tilespmem:v10+s21+$0x0], $0xffff;
	v12 =	vsel vm1, v17, v12;
	v17 =	vadd.s32 $0x6270, v11  }
0x6b: {  	v14 =	vadd.s32 $0x41A0, v13;
	v15 =	vsel vm2, v18, v15;
	v10 =	vadd.s32 s9, v4;
	v27 =	vld.idx.msk [tilespmem:v19+s2+$0x0], $0xffff  }
0x6c: {  	v11 =	vadd.s32 $0x8340, v11;
	v18 =	vsel vm1, v5, v26;
	vm3 =	vlt.s32 v10, $0x9FF;
	v26 =	vld.idx.msk [tilespmem:v23+s2+$0x0], $0xffff  }
0x6d: {  	vm0 =	vgt.f32 v9, v12;
	v19 =	vadd.s32 $0x6270, v13;
	v21 =	vld.idx.msk [tilespmem:v21+s21+$0x0], $0xffff;
	vm1 =	vgt.f32 v16, v15  }
0x6e: {  	v28 =	vld.idx.msk [tilespmem:v13+s21+$0x0], $0xffff;
	v13 =	vadd.s32 $0x8340, v13;
	v12 =	vsel vm0, v9, v12;
	v9 =	vsel vm2, v1, v0  }
0x6f: {  	v23 =	vsel vm0, v6, v18;
	v15 =	vsel vm1, v16, v15;
	v29 =	vsel vm1, v2, v9;
	v16 =	vld.idx.msk [tilespmem:v17+s21+$0x0], $0xffff  }
0x70: {  	vm0 =	vgt.f32 v20, v15;
	v9 =	vadd.s32 s8, v4;
	vm1 =	vgt.f32 v22, v24;
	v14 =	vld.idx.msk [tilespmem:v14+s21+$0x0], $0xffff  }
0x71: {  	v31 =	vsel vm0, v20, v15;
	v15 =	vsel vm1, v22, v24;
	v20 =	vld.idx.msk [tilespmem:v11+s21+$0x0], $0xffff;
	v17 =	vadd.s32 $0x20D0, v27  }
0x72: {  	vm2 =	vlt.s32 v9, $0x9FF;
	v22 =	vnsel vm3, $0x9FF, v10;
	vm4 =	vgt.f32 v21, v15;
	v11 =	vld.idx.msk [tilespmem:v19+s21+$0x0], $0xffff  }
0x73: {  	s6 =	simm.s32 $0xB320;
	v24 =	vnsel vm2, $0x9FF, v9;
	v9 =	vld.idx.msk [tilespmem:v13+s21+$0x0], $0xffff;
	v13 =	vadd.s32 $0x41A0, v27;
	v19 =	vsel vm4, v21, v15  }
0x74: {  	s5 =	simm.s32 $0xBD20;
	[tilespmem:s6+$0xFFFFFFF0] =	vst v12;
	v33 =	vadd.s32 $0x6270, v27;
	vm2 =	vgt.f32 v16, v19;
	v10 =	vld.idx.msk [tilespmem:v26+s21+$0x0], $0xffff  }
0x75: {  	[tilespmem:s5+$0xFFFFFFF0] =	vst v23;
	v23 =	vadd.s32 $0x8340, v27;
	v21 =	vsel vm1, v1, v0;
	v32 =	vsel vm2, v16, v19;
	v16 =	vld.idx.msk [tilespmem:v27+s21+$0x0], $0xffff  }
0x76: {  	v18 =	vadd.s32 $0x20D0, v26;
	v15 =	vadd.s32 $0x41A0, v26;
	v12 =	vsel vm4, v2, v21;
	v19 =	vld.idx.msk [tilespmem:v17+s21+$0x0], $0xffff  }
0x77: {  	v17 =	vadd.s32 $0x6270, v26;
	v21 =	vsel vm2, v5, v12;
	v12 =	vld.idx.msk [tilespmem:v22+s2+$0x0], $0xffff;
	vm1 =	vgt.f32 v20, v32  }
0x78: {  	s0 =	simm.s32 $0xB340;
	v20 =	vsel vm1, v20, v32;
	v22 =	vsel vm1, v6, v21;
	vm1 =	vgt.f32 v30, v28;
	v21 =	vld.idx.msk [tilespmem:v13+s21+$0x0], $0xffff  }
0x79: {  	s1 =	simm.s32 $0xBD40;
	v13 =	vld.idx.msk [tilespmem:v24+s2+$0x0], $0xffff;
	v24 =	vsel vm0, v5, v29;
	[tilespmem:s0+$0xFFFFFFF0] =	vst v20;
	v20 =	vadd.s32 $0x8340, v26;
	v26 =	vsel vm1, v30, v28  }
0x7a: {  	v27 =	vsel vm1, v1, v0;
	vm1 =	vgt.f32 v25, v31;
	[tilespmem:s1+$0xFFFFFFF0] =	vst v22;
	vm2 =	vgt.f32 v14, v26  }
0x7b: {  	s31 =	simm.s32 $0x90;
	s7 =	simm.s32 $0x6;
	v22 =	vld.idx.msk [tilespmem:v33+s21+$0x0], $0xffff;
	v25 =	vsel vm1, v25, v31;
	v26 =	vsel vm2, v14, v26;
	v14 =	vsel vm2, v2, v27  }
.LBB2_4:
0x7c: {  	s8 =	sadd.s32 s4, s31;
	v27 =	vld.idx.msk [tilespmem:v18+s21+$0x0], $0xffff;
	vm0 =	vgt.f32 v11, v26;
	v18 =	vsel vm1, v6, v24;
	[tilespmem:s6+$0x0] =	vst v25;
	v25 =	vmov v9;
	s6 =	smov.u32 s0  }
0x7d: {  	vm1 =	vgt.f32 v19, v16;
	s9 =	sadd.s32 $0xFFFFFFF0, s8;
	v9 =	vadd.s32 s8, v4;
	v23 =	vld.idx.msk [tilespmem:v23+s21+$0x0], $0xffff;
	v28 =	vsel vm0, v11, v26;
	[tilespmem:s5+$0x0] =	vst v18;
	s5 =	smov.u32 s1  }
0x7e: {  	s7 =	sadd.s32 $0x2, s7;
	v24 =	vmovc v10;
	v16 =	vsel vm1, v19, v16;
	v18 =	vadd.s32 s9, v4;
	vm2 =	vlt.s32 v9, $0x9FF;
	v26 =	vld.idx.msk [tilespmem:v15+s21+$0x0], $0xffff  }
0x7f: {  	p1 =	slt.u32 s7, $0x9E;
	v19 =	vadd.s32 $0x20D0, v12;
	vm4 =	vgt.f32 v21, v16;
	vm3 =	vlt.s32 v18, $0x9FF;
	v11 =	vld.idx.msk [tilespmem:v17+s21+$0x0], $0xffff  }
0x80: {  	v30 =	vnsel vm2, $0x9FF, v9;
	v16 =	vsel vm4, v21, v16;
	v29 =	vnsel vm3, $0x9FF, v18;
	v9 =	vld.idx.msk [tilespmem:v20+s21+$0x0], $0xffff  }
0x81: {  	v20 =	vadd.s32 $0x41A0, v12;
	v18 =	vadd.s32 $0x20D0, v13;
	vm2 =	vgt.f32 v22, v16  }
0x82: {  	v15 =	vadd.s32 $0x41A0, v13;
	v17 =	vsel vm1, v1, v0;
	v21 =	vsel vm2, v22, v16;
	v10 =	vld.idx.msk [tilespmem:v13+s21+$0x0], $0xffff  }
0x83: {  	v31 =	vsel vm4, v2, v17;
	v22 =	vadd.s32 $0x6270, v12;
	vm1 =	vgt.f32 v23, v21;
	v16 =	vld.idx.msk [tilespmem:v12+s21+$0x0], $0xffff  }
.Ltmp1:
0x84: {  	s0 =	sadd.s32 $0x20, s0;
	v17 =	vadd.s32 $0x6270, v13;
	v31 =	vsel vm2, v5, v31;
	v21 =	vsel vm1, v23, v21;
	v19 =	vld.idx.msk [tilespmem:v19+s21+$0x0], $0xffff;
	(pc) =	sbr.rel @p1 .LBB2_4-.Ltmp1, $4  }
0x85: {  	s1 =	sadd.s32 $0x20, s1;
	v23 =	vadd.s32 $0x8340, v12;
	v12 =	vld.idx.msk [tilespmem:v29+s2+$0x0], $0xffff;
	v29 =	vsel vm1, v6, v31;
	[tilespmem:s0+$0xFFFFFFF0] =	vst v21;
	vm1 =	vgt.f32 v27, v24  }
0x86: {  	v21 =	vld.idx.msk [tilespmem:v20+s21+$0x0], $0xffff;
	v20 =	vadd.s32 $0x8340, v13;
	[tilespmem:s1+$0xFFFFFFF0] =	vst v29;
	v27 =	vsel vm1, v27, v24;
	v29 =	vsel vm1, v1, v0  }
0x87: {  	v24 =	vsel vm0, v5, v14;
	vm1 =	vgt.f32 v25, v28;
	v13 =	vld.idx.msk [tilespmem:v30+s2+$0x0], $0xffff;
	vm2 =	vgt.f32 v26, v27  }
0x88: {  	s31 =	sadd.s32 $0x20, s31;
	v25 =	vsel vm1, v25, v28;
	v22 =	vld.idx.msk [tilespmem:v22+s21+$0x0], $0xffff;
	v26 =	vsel vm2, v26, v27;
	v14 =	vsel vm2, v2, v29  }
0x89: {  	_ =	sdelay $0x3  }
0x8a: {  	v18 =	vld.idx.msk [tilespmem:v18+s21+$0x0], $0xffff;
	vm0 =	vgt.f32 v19, v16  }
0x8b: {  	v23 =	vld.idx.msk [tilespmem:v23+s21+$0x0], $0xffff;
	v16 =	vsel vm0, v19, v16;
	v19 =	vadd.s32 $0x20D0, v12  }
0x8c: {  	v15 =	vld.idx.msk [tilespmem:v15+s21+$0x0], $0xffff;
	vm3 =	vgt.f32 v11, v26  }
0x8d: {  	v17 =	vld.idx.msk [tilespmem:v17+s21+$0x0], $0xffff;
	v24 =	vsel vm1, v6, v24;
	v52 =	vadd.s32 $0x41A0, v12;
	v27 =	vadd.s32 $0x6270, v12  }
0x8e: {  	v11 =	vsel vm3, v11, v26;
	v54 =	vld.idx.msk [tilespmem:v12+s21+$0x0], $0xffff;
	v28 =	vsel vm0, v1, v0;
	v12 =	vadd.s32 $0x8340, v12  }
0x8f: {  	v20 =	vld.idx.msk [tilespmem:v20+s21+$0x0], $0xffff;
	v14 =	vsel vm3, v5, v14;
	vm2 =	vgt.f32 v21, v16;
	v53 =	vadd.s32 $0x20D0, v13  }
0x90: {  	vm10 =	vgt.f32 v9, v11;
	v16 =	vsel vm2, v21, v16;
	v28 =	vsel vm2, v2, v28;
	v19 =	vld.idx.msk [tilespmem:v19+s21+$0x0], $0xffff  }
0x91: {  	[tilespmem:s6+$0x0] =	vst v25;
	v29 =	vld.idx.msk [tilespmem:v13+s21+$0x0], $0xffff;
	v55 =	vadd.s32 $0x41A0, v13;
	v56 =	vadd.s32 $0x6270, v13;
	v13 =	vadd.s32 $0x8340, v13  }
0x92: {  	v9 =	vsel vm10, v9, v11;
	vm4 =	vgt.f32 v22, v16;
	vm8 =	vgt.f32 v18, v10;
	v21 =	vld.idx.msk [tilespmem:v52+s21+$0x0], $0xffff  }
0x93: {  	v11 =	vsel vm10, v6, v14;
	v16 =	vsel vm4, v22, v16;
	v10 =	vsel vm8, v18, v10;
	v18 =	vld.idx.msk [tilespmem:v27+s21+$0x0], $0xffff  }
0x94: {  	v28 =	vsel vm4, v5, v28;
	vm7 =	vgt.f32 v23, v16;
	v57 =	vsel vm8, v1, v0;
	v26 =	vld.idx.msk [tilespmem:v53+s21+$0x0], $0xffff  }
0x95: {  	v12 =	vld.idx.msk [tilespmem:v12+s21+$0x0], $0xffff;
	v16 =	vsel vm7, v23, v16;
	vm9 =	vgt.f32 v15, v10;
	vm11 =	vgt.f32 v19, v54  }
0x96: {  	v28 =	vsel vm7, v6, v28;
	v10 =	vsel vm9, v15, v10;
	v58 =	vld.idx.msk [tilespmem:v55+s21+$0x0], $0xffff;
	v19 =	vsel vm11, v19, v54  }
0x97: {  	s6 =	sadd.s32 $0x20, s0;
	[tilespmem:s5+$0x0] =	vst v24;
	v15 =	vsel vm9, v2, v57;
	vm12 =	vgt.f32 v17, v10;
	vm13 =	vgt.f32 v21, v19  }
0x98: {  	[tilespmem:s6+$0xFFFFFFF0] =	vst v16;
	v14 =	vld.idx.msk [tilespmem:v56+s21+$0x0], $0xffff;
	v10 =	vsel vm12, v17, v10;
	v16 =	vsel vm13, v21, v19  }
0x99: {  	[tilespmem:s0+$0x0] =	vst v9;
	vm8 =	vgt.f32 v20, v10;
	vm15 =	vgt.f32 v26, v29;
	vm14 =	vgt.f32 v18, v16  }
0x9a: {  	v13 =	vld.idx.msk [tilespmem:v13+s21+$0x0], $0xffff;
	v17 =	vsel vm11, v1, v0;
	v16 =	vsel vm14, v18, v16;
	v18 =	vsel vm15, v26, v29  }
0x9b: {  	s7 =	sadd.s32 $0x20, s1;
	[tilespmem:s1+$0x0] =	vst v11;
	v17 =	vsel vm13, v2, v17;
	vm6 =	vgt.f32 v12, v16;
	vm7 =	vgt.f32 v58, v18  }
0x9c: {  	s8 =	sadd.s32 $0x20, s6;
	[tilespmem:s7+$0xFFFFFFF0] =	vst v28;
	v9 =	vsel vm14, v5, v17;
	v11 =	vsel vm6, v12, v16;
	v12 =	vsel vm7, v58, v18  }
0x9d: {  	s9 =	sadd.s32 $0x20, s7;
	v10 =	vsel vm8, v20, v10;
	v9 =	vsel vm6, v6, v9;
	[tilespmem:s8+$0xFFFFFFF0] =	vst v11;
	vm9 =	vgt.f32 v14, v12  }
0x9e: {  	v11 =	vsel vm15, v1, v0;
	[tilespmem:s9+$0xFFFFFFF0] =	vst v9;
	v9 =	vsel vm12, v5, v15;
	v12 =	vsel vm9, v14, v12  }
0x9f: {  	[tilespmem:s6+$0x0] =	vst v10;
	v11 =	vsel vm7, v2, v11;
	v9 =	vsel vm8, v6, v9;
	vm10 =	vgt.f32 v13, v12  }
0xa0: {  	[tilespmem:s7+$0x0] =	vst v9;
	v9 =	vsel vm9, v5, v11;
	v10 =	vsel vm10, v13, v12  }
0xa1: {  	v9 =	vsel vm10, v6, v9;
	[tilespmem:s8+$0x0] =	vst v10  }
0xa2: {  	[tilespmem:s9+$0x0] =	vst v9  }
0xa3: {  	s7 =	simm.s32 $0xB310;
	s0 =	rddreg [dreg:$0x9]  }
0xa4: {  	[spmem:s0] =	stream.linear.scatter [tilespmem:s7], [sflag:$0x4], $0xA00, $0x38;
	[tilespmem:$0xF550] =	vst v63  }
0xa5: {  	_ =	swait.ge [sflag:s22], $0xA00  }
0xa6: {  	[sflag:s22] =	ssyncset.done $0x0  }
0xa7: {  	s9 =	simm.s32 $0xBD10;
	s8 =	rddreg [dreg:$0xa];
	[sflag:s22] =	ssyncadd.s32 $0xFFFFF600  }
0xa8: {  	[spmem:s8] =	stream.linear.scatter [tilespmem:s9], [sflag:$0x4], $0xA00, $0x38;
	[tilespmem:$0xF550] =	vst v63  }
0xa9: {  	_ =	swait.ge [sflag:s22], $0xA00  }
0xaa: {  	[sflag:s22] =	ssyncset.done $0x0  }
0xab: {  	[sflag:s22] =	ssyncadd.s32 $0xFFFFF600  }
0xac: {  	[bflag:$0x0] =	sbarrier.arrive $0xFFFF  }
0xad: {  	s5 =	sld [smem:$0x7FD];
	_ =	sdelay $0x1  }
0xae: {  	s6 =	simm.s32 $0xDB10  }
0xaf: {  	[tilespmem:s6], [sflag:$0x3] =	stream.linear.gather [spmem:s5], $0xA0, $0x38;
	[tilespmem:$0xF550] =	vst v63  }
0xb0: {  	s7 =	simm.s32 $0xE510;
	s8 =	rddreg [dreg:$0xb]  }
0xb1: {  	[tilespmem:s7], [sflag:$0x3] =	stream.linear.gather [spmem:s12], $0xA0, $0x38;
	[tilespmem:$0xF550] =	vst v63  }
0xb2: {  	s9 =	simm.s32 $0xDBB0;
	s1 =	rddreg [dreg:$0xc]  }
0xb3: {  	[tilespmem:s9], [sflag:$0x3] =	stream.linear.gather [spmem:s8], $0xA0, $0x38;
	[tilespmem:$0xF550] =	vst v63  }
0xb4: {  	s5 =	simm.s32 $0xE5B0;
	s6 =	rddreg [dreg:$0xd]  }
0xb5: {  	[tilespmem:s5], [sflag:$0x3] =	stream.linear.gather [spmem:s1], $0xA0, $0x38;
	[tilespmem:$0xF550] =	vst v63  }
0xb6: {  	s7 =	simm.s32 $0xDC50;
	s8 =	rddreg [dreg:$0xe]  }
0xb7: {  	[tilespmem:s7], [sflag:$0x3] =	stream.linear.gather [spmem:s6], $0xA0, $0x38;
	[tilespmem:$0xF550] =	vst v63  }
0xb8: {  	s9 =	simm.s32 $0xE650;
	s1 =	rddreg [dreg:$0xf]  }
0xb9: {  	[tilespmem:s9], [sflag:$0x3] =	stream.linear.gather [spmem:s8], $0xA0, $0x38;
	[tilespmem:$0xF550] =	vst v63  }
0xba: {  	s5 =	simm.s32 $0xDCF0;
	s6 =	rddreg [dreg:$0x10]  }
0xbb: {  	[tilespmem:s5], [sflag:$0x3] =	stream.linear.gather [spmem:s1], $0xA0, $0x38;
	[tilespmem:$0xF550] =	vst v63  }
0xbc: {  	s7 =	simm.s32 $0xE6F0;
	s8 =	rddreg [dreg:$0x11]  }
0xbd: {  	[tilespmem:s7], [sflag:$0x3] =	stream.linear.gather [spmem:s6], $0xA0, $0x38;
	[tilespmem:$0xF550] =	vst v63  }
0xbe: {  	s9 =	simm.s32 $0xDD90;
	s1 =	rddreg [dreg:$0x12]  }
0xbf: {  	[tilespmem:s9], [sflag:$0x3] =	stream.linear.gather [spmem:s8], $0xA0, $0x38;
	[tilespmem:$0xF550] =	vst v63  }
0xc0: {  	s5 =	simm.s32 $0xE790;
	s6 =	rddreg [dreg:$0x13]  }
0xc1: {  	[tilespmem:s5], [sflag:$0x3] =	stream.linear.gather [spmem:s1], $0xA0, $0x38;
	[tilespmem:$0xF550] =	vst v63  }
0xc2: {  	s7 =	simm.s32 $0xDE30;
	s8 =	rddreg [dreg:$0x14]  }
0xc3: {  	[tilespmem:s7], [sflag:$0x3] =	stream.linear.gather [spmem:s6], $0xA0, $0x38;
	[tilespmem:$0xF550] =	vst v63  }
0xc4: {  	s9 =	simm.s32 $0xE830;
	s1 =	rddreg [dreg:$0x15]  }
0xc5: {  	[tilespmem:s9], [sflag:$0x3] =	stream.linear.gather [spmem:s8], $0xA0, $0x38;
	[tilespmem:$0xF550] =	vst v63  }
0xc6: {  	s5 =	simm.s32 $0xDED0;
	s6 =	rddreg [dreg:$0x16]  }
0xc7: {  	[tilespmem:s5], [sflag:$0x3] =	stream.linear.gather [spmem:s1], $0xA0, $0x38;
	[tilespmem:$0xF550] =	vst v63  }
0xc8: {  	s7 =	simm.s32 $0xE8D0;
	s8 =	rddreg [dreg:$0x17]  }
0xc9: {  	[tilespmem:s7], [sflag:$0x3] =	stream.linear.gather [spmem:s6], $0xA0, $0x38;
	[tilespmem:$0xF550] =	vst v63  }
0xca: {  	s9 =	simm.s32 $0xDF70;
	s1 =	rddreg [dreg:$0x18]  }
0xcb: {  	[tilespmem:s9], [sflag:$0x3] =	stream.linear.gather [spmem:s8], $0xA0, $0x38;
	[tilespmem:$0xF550] =	vst v63  }
0xcc: {  	s5 =	simm.s32 $0xE970;
	s6 =	rddreg [dreg:$0x19]  }
0xcd: {  	[tilespmem:s5], [sflag:$0x3] =	stream.linear.gather [spmem:s1], $0xA0, $0x38;
	[tilespmem:$0xF550] =	vst v63  }
0xce: {  	s0 =	simm.s32 $0xE010;
	s7 =	rddreg [dreg:$0x1a]  }
0xcf: {  	[tilespmem:s0], [sflag:$0x3] =	stream.linear.gather [spmem:s6], $0xA0, $0x38;
	[tilespmem:$0xF550] =	vst v63  }
0xd0: {  	s31 =	simm.s32 $0xEA10;
	s8 =	rddreg [dreg:$0x1b]  }
0xd1: {  	[tilespmem:s31], [sflag:$0x3] =	stream.linear.gather [spmem:s7], $0xA0, $0x38;
	[tilespmem:$0xF550] =	vst v63  }
0xd2: {  	s9 =	simm.s32 $0xE0B0;
	s6 =	rddreg [dreg:$0x1c]  }
0xd3: {  	[tilespmem:s9], [sflag:$0x3] =	stream.linear.gather [spmem:s8], $0xA0, $0x38;
	[tilespmem:$0xF550] =	vst v63  }
0xd4: {  	s7 =	simm.s32 $0xEAB0;
	s8 =	rddreg [dreg:$0x1d]  }
0xd5: {  	[tilespmem:s7], [sflag:$0x3] =	stream.linear.gather [spmem:s6], $0xA0, $0x38;
	[tilespmem:$0xF550] =	vst v63  }
0xd6: {  	s9 =	simm.s32 $0xE150;
	s6 =	rddreg [dreg:$0x1e]  }
0xd7: {  	[tilespmem:s9], [sflag:$0x3] =	stream.linear.gather [spmem:s8], $0xA0, $0x38;
	[tilespmem:$0xF550] =	vst v63  }
0xd8: {  	s7 =	simm.s32 $0xEB50;
	s8 =	rddreg [dreg:$0x1f]  }
0xd9: {  	[tilespmem:s7], [sflag:$0x3] =	stream.linear.gather [spmem:s6], $0xA0, $0x38;
	[tilespmem:$0xF550] =	vst v63  }
0xda: {  	s9 =	simm.s32 $0xE1F0;
	s6 =	sld [smem:$0x7F6]  }
0xdb: {  	[tilespmem:s9], [sflag:$0x3] =	stream.linear.gather [spmem:s8], $0xA0, $0x38;
	[tilespmem:$0xF550] =	vst v63  }
0xdc: {  	s7 =	simm.s32 $0xEBF0;
	s8 =	sld [smem:$0x7F7]  }
0xdd: {  	[tilespmem:s7], [sflag:$0x3] =	stream.linear.gather [spmem:s6], $0xA0, $0x38;
	[tilespmem:$0xF550] =	vst v63  }
0xde: {  	s9 =	simm.s32 $0xE290;
	s6 =	sld [smem:$0x7F8]  }
0xdf: {  	[tilespmem:s9], [sflag:$0x3] =	stream.linear.gather [spmem:s8], $0xA0, $0x38;
	[tilespmem:$0xF550] =	vst v63  }
0xe0: {  	s7 =	simm.s32 $0xEC90;
	s8 =	sld [smem:$0x7F9]  }
0xe1: {  	[tilespmem:s7], [sflag:$0x3] =	stream.linear.gather [spmem:s6], $0xA0, $0x38;
	[tilespmem:$0xF550] =	vst v63  }
0xe2: {  	s9 =	simm.s32 $0xE330;
	s6 =	sld [smem:$0x7FA]  }
0xe3: {  	[tilespmem:s9], [sflag:$0x3] =	stream.linear.gather [spmem:s8], $0xA0, $0x38;
	[tilespmem:$0xF550] =	vst v63  }
0xe4: {  	s7 =	simm.s32 $0xED30;
	s8 =	sld [smem:$0x7FB]  }
0xe5: {  	[tilespmem:s7], [sflag:$0x3] =	stream.linear.gather [spmem:s6], $0xA0, $0x38;
	[tilespmem:$0xF550] =	vst v63  }
0xe6: {  	s5 =	sld [smem:$0x7FC];
	s9 =	simm.s32 $0xE3D0  }
0xe7: {  	[tilespmem:s9], [sflag:$0x3] =	stream.linear.gather [spmem:s8], $0xA0, $0x38;
	[tilespmem:$0xF550] =	vst v63  }
0xe8: {  	s6 =	simm.s32 $0xEDD0  }
0xe9: {  	[tilespmem:s6], [sflag:$0x3] =	stream.linear.gather [spmem:s5], $0xA0, $0x38;
	[tilespmem:$0xF550] =	vst v63  }
0xea: {  	s7 =	simm.s32 $0xE470  }
0xeb: {  	[tilespmem:s7], [sflag:$0x3] =	stream.linear.gather [spmem:s10], $0xA0, $0x38;
	[tilespmem:$0xF550] =	vst v63  }
0xec: {  	s8 =	simm.s32 $0xEE70  }
0xed: {  	[tilespmem:s8], [sflag:$0x3] =	stream.linear.gather [spmem:s11], $0xA0, $0x38;
	[tilespmem:$0xF550] =	vst v63  }
0xee: {  	_ =	swait.ge [sflag:s26], $0xA0  }
0xef: {  	[sflag:s26] =	ssyncset.done $0x0  }
0xf0: {  	[sflag:s26] =	ssyncadd.s32 $0xFFFFFF60  }
0xf1: {  	_ =	swait.ge [sflag:s26], $0xA0  }
0xf2: {  	[sflag:s26] =	ssyncset.done $0x0  }
0xf3: {  	[sflag:s26] =	ssyncadd.s32 $0xFFFFFF60  }
0xf4: {  	_ =	swait.ge [sflag:s26], $0xA0  }
0xf5: {  	[sflag:s26] =	ssyncset.done $0x0  }
0xf6: {  	[sflag:s26] =	ssyncadd.s32 $0xFFFFFF60  }
0xf7: {  	_ =	swait.ge [sflag:s26], $0xA0  }
0xf8: {  	[sflag:s26] =	ssyncset.done $0x0  }
0xf9: {  	[sflag:s26] =	ssyncadd.s32 $0xFFFFFF60  }
0xfa: {  	_ =	swait.ge [sflag:s26], $0xA0  }
0xfb: {  	[sflag:s26] =	ssyncset.done $0x0  }
0xfc: {  	[sflag:s26] =	ssyncadd.s32 $0xFFFFFF60  }
0xfd: {  	_ =	swait.ge [sflag:s26], $0xA0  }
0xfe: {  	[sflag:s26] =	ssyncset.done $0x0  }
0xff: {  	[sflag:s26] =	ssyncadd.s32 $0xFFFFFF60  }
0x100: {  	_ =	swait.ge [sflag:s26], $0xA0  }
0x101: {  	[sflag:s26] =	ssyncset.done $0x0  }
0x102: {  	[sflag:s26] =	ssyncadd.s32 $0xFFFFFF60  }
0x103: {  	_ =	swait.ge [sflag:s26], $0xA0  }
0x104: {  	[sflag:s26] =	ssyncset.done $0x0  }
0x105: {  	[sflag:s26] =	ssyncadd.s32 $0xFFFFFF60  }
0x106: {  	_ =	swait.ge [sflag:s26], $0xA0  }
0x107: {  	[sflag:s26] =	ssyncset.done $0x0  }
0x108: {  	[sflag:s26] =	ssyncadd.s32 $0xFFFFFF60  }
0x109: {  	_ =	swait.ge [sflag:s26], $0xA0  }
0x10a: {  	[sflag:s26] =	ssyncset.done $0x0  }
0x10b: {  	[sflag:s26] =	ssyncadd.s32 $0xFFFFFF60  }
0x10c: {  	_ =	swait.ge [sflag:s26], $0xA0  }
0x10d: {  	[sflag:s26] =	ssyncset.done $0x0  }
0x10e: {  	[sflag:s26] =	ssyncadd.s32 $0xFFFFFF60  }
0x10f: {  	_ =	swait.ge [sflag:s26], $0xA0  }
0x110: {  	[sflag:s26] =	ssyncset.done $0x0  }
0x111: {  	[sflag:s26] =	ssyncadd.s32 $0xFFFFFF60  }
0x112: {  	_ =	swait.ge [sflag:s26], $0xA0  }
0x113: {  	[sflag:s26] =	ssyncset.done $0x0  }
0x114: {  	[sflag:s26] =	ssyncadd.s32 $0xFFFFFF60  }
0x115: {  	_ =	swait.ge [sflag:s26], $0xA0  }
0x116: {  	[sflag:s26] =	ssyncset.done $0x0  }
0x117: {  	[sflag:s26] =	ssyncadd.s32 $0xFFFFFF60  }
0x118: {  	_ =	swait.ge [sflag:s26], $0xA0  }
0x119: {  	[sflag:s26] =	ssyncset.done $0x0  }
0x11a: {  	[sflag:s26] =	ssyncadd.s32 $0xFFFFFF60  }
0x11b: {  	_ =	swait.ge [sflag:s26], $0xA0  }
0x11c: {  	[sflag:s26] =	ssyncset.done $0x0  }
0x11d: {  	[sflag:s26] =	ssyncadd.s32 $0xFFFFFF60  }
0x11e: {  	_ =	swait.ge [sflag:s26], $0xA0  }
0x11f: {  	[sflag:s26] =	ssyncset.done $0x0  }
0x120: {  	[sflag:s26] =	ssyncadd.s32 $0xFFFFFF60  }
0x121: {  	_ =	swait.ge [sflag:s26], $0xA0  }
0x122: {  	[sflag:s26] =	ssyncset.done $0x0  }
0x123: {  	[sflag:s26] =	ssyncadd.s32 $0xFFFFFF60  }
0x124: {  	_ =	swait.ge [sflag:s26], $0xA0  }
0x125: {  	[sflag:s26] =	ssyncset.done $0x0  }
0x126: {  	[sflag:s26] =	ssyncadd.s32 $0xFFFFFF60  }
0x127: {  	_ =	swait.ge [sflag:s26], $0xA0  }
0x128: {  	[sflag:s26] =	ssyncset.done $0x0  }
0x129: {  	[sflag:s26] =	ssyncadd.s32 $0xFFFFFF60  }
0x12a: {  	_ =	swait.ge [sflag:s26], $0xA0  }
0x12b: {  	[sflag:s26] =	ssyncset.done $0x0  }
0x12c: {  	[sflag:s26] =	ssyncadd.s32 $0xFFFFFF60  }
0x12d: {  	_ =	swait.ge [sflag:s26], $0xA0  }
0x12e: {  	[sflag:s26] =	ssyncset.done $0x0  }
0x12f: {  	[sflag:s26] =	ssyncadd.s32 $0xFFFFFF60  }
0x130: {  	_ =	swait.ge [sflag:s26], $0xA0  }
0x131: {  	[sflag:s26] =	ssyncset.done $0x0  }
0x132: {  	[sflag:s26] =	ssyncadd.s32 $0xFFFFFF60  }
0x133: {  	_ =	swait.ge [sflag:s26], $0xA0  }
0x134: {  	[sflag:s26] =	ssyncset.done $0x0  }
0x135: {  	[sflag:s26] =	ssyncadd.s32 $0xFFFFFF60  }
0x136: {  	_ =	swait.ge [sflag:s26], $0xA0  }
0x137: {  	[sflag:s26] =	ssyncset.done $0x0  }
0x138: {  	[sflag:s26] =	ssyncadd.s32 $0xFFFFFF60  }
0x139: {  	_ =	swait.ge [sflag:s26], $0xA0  }
0x13a: {  	[sflag:s26] =	ssyncset.done $0x0  }
0x13b: {  	[sflag:s26] =	ssyncadd.s32 $0xFFFFFF60  }
0x13c: {  	_ =	swait.ge [sflag:s26], $0xA0  }
0x13d: {  	[sflag:s26] =	ssyncset.done $0x0  }
0x13e: {  	[sflag:s26] =	ssyncadd.s32 $0xFFFFFF60  }
0x13f: {  	_ =	swait.ge [sflag:s26], $0xA0  }
0x140: {  	[sflag:s26] =	ssyncset.done $0x0  }
0x141: {  	[sflag:s26] =	ssyncadd.s32 $0xFFFFFF60  }
0x142: {  	_ =	swait.ge [sflag:s26], $0xA0  }
0x143: {  	[sflag:s26] =	ssyncset.done $0x0  }
0x144: {  	[sflag:s26] =	ssyncadd.s32 $0xFFFFFF60  }
0x145: {  	_ =	swait.ge [sflag:s26], $0xA0  }
0x146: {  	[sflag:s26] =	ssyncset.done $0x0  }
0x147: {  	[sflag:s26] =	ssyncadd.s32 $0xFFFFFF60  }
0x148: {  	_ =	swait.ge [sflag:s26], $0xA0  }
0x149: {  	[sflag:s26] =	ssyncset.done $0x0  }
0x14a: {  	[sflag:s26] =	ssyncadd.s32 $0xFFFFFF60  }
0x14b: {  	_ =	swait.ge [sflag:s26], $0xA0  }
0x14c: {  	[sflag:s26] =	ssyncset.done $0x0  }
0x14d: {  	[sflag:s26] =	ssyncadd.s32 $0xFFFFFF60  }
0x14e: {  	_ =	swait.ge [sflag:s28], $0x280  }
0x14f: {  	[sflag:s28] =	ssyncset.done $0x0  }
0x150: {  	[sflag:s28] =	ssyncadd.s32 $0xFFFFFD80  }
0x151: {  	v9 =	vld [tilespmem:s0+$0xFFFFFB00]  }
0x152: {  	v10 =	vld [tilespmem:s0+$0xFFFFFBA0]  }
0x153: {  	v12 =	vld [tilespmem:s0+$0x460]  }
0x154: {  	v11 =	vld [tilespmem:s0+$0xFFFFFC40]  }
0x155: {  	v13 =	vld [tilespmem:s0+$0x3C0]  }
0x156: {  	v14 =	vld [tilespmem:s0+$0xFFFFFCE0]  }
0x157: {  	v15 =	vld [tilespmem:s0+$0x320];
	vm11 =	vgt.f32 v10, v9  }
0x158: {  	v9 =	vsel vm11, v10, v9;
	v10 =	vld [tilespmem:s0+$0xFFFFFD80]  }
0x159: {  	v16 =	vld [tilespmem:s0+$0x280];
	vm12 =	vgt.f32 v11, v9  }
0x15a: {  	v9 =	vsel vm12, v11, v9;
	v11 =	vld [tilespmem:s0+$0xFFFFFE20]  }
0x15b: {  	v17 =	vld [tilespmem:s0+$0x1E0];
	vm13 =	vgt.f32 v14, v9  }
0x15c: {  	v9 =	vsel vm13, v14, v9;
	v14 =	vld [tilespmem:s0+$0xFFFFFEC0]  }
0x15d: {  	v18 =	vld [tilespmem:s0+$0x140];
	vm14 =	vgt.f32 v10, v9  }
0x15e: {  	v9 =	vsel vm14, v10, v9;
	v10 =	vld [tilespmem:s0+$0xFFFFFF60]  }
0x15f: {  	v19 =	vld [tilespmem:s0+$0xA0];
	vm15 =	vgt.f32 v11, v9  }
0x160: {  	v9 =	vsel vm15, v11, v9;
	v11 =	vld [tilespmem:s0+$0x0]  }
0x161: {  	v20 =	vld [tilespmem:s31+$0xFFFFFB00];
	vm5 =	vgt.f32 v14, v9  }
0x162: {  	v59 =	vld [tilespmem:s31+$0xFFFFFBA0];
	v9 =	vsel vm5, v14, v9  }
0x163: {  	v14 =	vld [tilespmem:s31+$0xFFFFFC40];
	vm6 =	vgt.f32 v10, v9  }
0x164: {  	v60 =	vld [tilespmem:s31+$0xFFFFFCE0];
	v9 =	vsel vm6, v10, v9  }
0x165: {  	v10 =	vld [tilespmem:s31+$0xFFFFFD80];
	vm7 =	vgt.f32 v11, v9  }
0x166: {  	v61 =	vld [tilespmem:s31+$0xFFFFFE20];
	v9 =	vsel vm7, v11, v9  }
0x167: {  	v11 =	vsel vm11, v59, v20;
	v20 =	vld [tilespmem:s31+$0xFFFFFEC0];
	vm9 =	vgt.f32 v19, v9  }
0x168: {  	v11 =	vsel vm12, v14, v11;
	v14 =	vld [tilespmem:s31+$0xFFFFFF60];
	v9 =	vsel vm9, v19, v9  }
0x169: {  	v11 =	vsel vm13, v60, v11;
	v19 =	vld [tilespmem:s31+$0x0];
	vm10 =	vgt.f32 v18, v9  }
0x16a: {  	v10 =	vsel vm14, v10, v11;
	v11 =	vld [tilespmem:s31+$0xA0];
	v9 =	vsel vm10, v18, v9  }
0x16b: {  	v10 =	vsel vm15, v61, v10;
	v18 =	vld [tilespmem:s31+$0x140];
	vm11 =	vgt.f32 v17, v9  }
0x16c: {  	v10 =	vsel vm5, v20, v10;
	v20 =	vld [tilespmem:s31+$0x1E0];
	v9 =	vsel vm11, v17, v9  }
0x16d: {  	v10 =	vsel vm6, v14, v10;
	v14 =	vld [tilespmem:s31+$0x280];
	vm12 =	vgt.f32 v16, v9  }
0x16e: {  	v17 =	vld [tilespmem:s31+$0x320];
	v10 =	vsel vm7, v19, v10;
	v9 =	vsel vm12, v16, v9  }
0x16f: {  	s9 =	simm.s32 $0x0;
	v19 =	vld [tilespmem:s31+$0x3C0];
	v10 =	vsel vm9, v11, v10;
	vm13 =	vgt.f32 v15, v9  }
0x170: {  	s6 =	simm.s32 $0xE020;
	v62 =	vld [tilespmem:s31+$0x460];
	v11 =	vor.u32 s9, v4;
	v10 =	vsel vm10, v18, v10;
	v15 =	vsel vm13, v15, v9  }
0x171: {  	v18 =	vld [tilespmem:s6+$0xFFFFFB00];
	v16 =	vsel vm11, v20, v10;
	v20 =	vshll.u32 v11, $0x2;
	vm14 =	vgt.f32 v13, v15  }
0x172: {  	v9 =	vld [tilespmem:s6+$0x460];
	v14 =	vsel vm12, v14, v16;
	v13 =	vsel vm14, v13, v15;
	v15 =	vor.u32 $0x2, v20  }
0x173: {  	v10 =	vld [tilespmem:s6+$0x3C0];
	v63 =	vor.u32 $0x3, v20;
	v14 =	vsel vm13, v17, v14;
	vm15 =	vgt.f32 v12, v13  }
0x174: {  	s0 =	simm.s32 $0xF410;
	v16 =	vld [tilespmem:s6+$0xFFFFFCE0];
	v14 =	vsel vm14, v19, v14;
	v12 =	vsel vm15, v12, v13  }
0x175: {  	s1 =	simm.s32 $0xF4B0;
	v17 =	vld [tilespmem:s6+$0xFFFFFC40];
	v13 =	vsel vm15, v62, v14;
	[tilespmem:s0+$0x0] =	vst v12;
	v12 =	vor.u32 $0x1, v20  }
0x176: {  	v19 =	vld [tilespmem:s6+$0xFFFFFBA0];
	[tilespmem:s1+$0x0] =	vst v13  }
0x177: {  	v15 =	vld.idx.msk [tilespmem:v15+s24+$0x0], $0xffff  }
0x178: {  	v14 =	vld.idx.msk [tilespmem:v63+s24+$0x0], $0xffff  }
0x179: {  	v13 =	vld.idx.msk [tilespmem:v20+s24+$0x0], $0xffff  }
0x17a: {  	s5 =	simm.s32 $0x10;
	s7 =	simm.s32 $0x20;
	v12 =	vld.idx.msk [tilespmem:v12+s24+$0x0], $0xffff  }
.LBB2_6:
0x17b: {  	p1 =	sne.s32 s7, $0x90;
	vm0 =	vgt.f32 v19, v18;
	v20 =	vld [tilespmem:s6+$0x320]  }
0x17c: {  	v18 =	vsel vm0, v19, v18;
	v19 =	vld [tilespmem:s6+$0xFFFFFD80]  }
0x17d: {  	v11 =	vshll.u32 v11, $0x3;
	v15 =	vmul.f32 $5.000000000e-01, v15;
	vm1 =	vgt.f32 v17, v18;
	v21 =	vld [tilespmem:s6+$0x280]  }
0x17e: {  	v22 =	vor.u32 $0x1, v11;
	v14 =	vmul.f32 $5.000000000e-01, v14;
	v17 =	vsel vm1, v17, v18;
	v18 =	vld [tilespmem:s6+$0xFFFFFE20]  }
0x17f: {  	v25 =	vor.u32 $0x2, v11;
	v24 =	vsub.f32 v13, v15;
	vm2 =	vgt.f32 v16, v17;
	v23 =	vld [tilespmem:s6+$0x1E0]  }
0x180: {  	v27 =	vor.u32 $0x3, v11;
	v26 =	vsub.f32 v12, v14;
	v16 =	vsel vm2, v16, v17;
	v17 =	vld [tilespmem:s6+$0xFFFFFEC0]  }
0x181: {  	v13 =	vadd.f32 v15, v13;
	v24 =	vmul.f32 v24, v3;
	vm3 =	vgt.f32 v19, v16;
	v28 =	vld [tilespmem:s6+$0x140]  }
0x182: {  	v12 =	vadd.f32 v14, v12;
	v15 =	vsel vm3, v19, v16;
	v16 =	vld [tilespmem:s6+$0xFFFFFF60];
	v19 =	vmul.f32 v26, v7  }
0x183: {  	v13 =	vmul.f32 v13, v3;
	vm4 =	vgt.f32 v18, v15;
	v14 =	vld [tilespmem:s6+$0xA0];
	[tilespmem:v11+s29+$0x0] =	vst.idx.msk $0xffff, v24  }
0x184: {  	s31 =	sadd.s32 $0x10, s31;
	v12 =	vmul.f32 v12, v7;
	v11 =	vsel vm4, v18, v15;
	v15 =	vld [tilespmem:s6+$0x0];
	[tilespmem:v22+s29+$0x0] =	vst.idx.msk $0xffff, v19  }
0x185: {  	v18 =	vld [tilespmem:s31+$0xFFFFFB00];
	vm5 =	vgt.f32 v17, v11;
	[tilespmem:v25+s29+$0x0] =	vst.idx.msk $0xffff, v13  }
0x186: {  	v13 =	vld [tilespmem:s31+$0xFFFFFBA0];
	v11 =	vsel vm5, v17, v11;
	[tilespmem:v27+s29+$0x0] =	vst.idx.msk $0xffff, v12  }
0x187: {  	v12 =	vld [tilespmem:s31+$0xFFFFFC40];
	vm6 =	vgt.f32 v16, v11  }
0x188: {  	v17 =	vld [tilespmem:s31+$0xFFFFFCE0];
	v11 =	vsel vm6, v16, v11  }
0x189: {  	v16 =	vld [tilespmem:s31+$0xFFFFFD80];
	vm7 =	vgt.f32 v15, v11  }
0x18a: {  	v19 =	vld [tilespmem:s31+$0xFFFFFE20];
	v11 =	vsel vm7, v15, v11  }
0x18b: {  	v13 =	vsel vm0, v13, v18;
	v15 =	vld [tilespmem:s31+$0xFFFFFEC0];
	vm0 =	vgt.f32 v14, v11  }
0x18c: {  	v12 =	vsel vm1, v12, v13;
	v13 =	vld [tilespmem:s31+$0xFFFFFF60];
	v11 =	vsel vm0, v14, v11  }
0x18d: {  	v12 =	vsel vm2, v17, v12;
	v14 =	vld [tilespmem:s31+$0x0];
	vm1 =	vgt.f32 v28, v11  }
0x18e: {  	v12 =	vsel vm3, v16, v12;
	v16 =	vld [tilespmem:s31+$0xA0];
	v11 =	vsel vm1, v28, v11  }
0x18f: {  	v12 =	vsel vm4, v19, v12;
	v17 =	vld [tilespmem:s31+$0x140];
	vm2 =	vgt.f32 v23, v11  }
0x190: {  	v12 =	vsel vm5, v15, v12;
	v15 =	vld [tilespmem:s31+$0x1E0];
	v11 =	vsel vm2, v23, v11  }
0x191: {  	v12 =	vsel vm6, v13, v12;
	v13 =	vld [tilespmem:s31+$0x280];
	vm3 =	vgt.f32 v21, v11  }
0x192: {  	v12 =	vsel vm7, v14, v12;
	v11 =	vsel vm3, v21, v11;
	v14 =	vld [tilespmem:s31+$0x320]  }
0x193: {  	v12 =	vsel vm0, v16, v12;
	vm0 =	vgt.f32 v20, v11;
	v18 =	vld [tilespmem:s31+$0x3C0]  }
0x194: {  	s6 =	sadd.s32 $0x10, s6;
	v12 =	vsel vm1, v17, v12;
	v16 =	vsel vm0, v20, v11;
	v19 =	vld [tilespmem:s31+$0x460];
	v11 =	vor.u32 s5, v4;
	s5 =	smov.u32 s7  }
0x195: {  	v20 =	vld [tilespmem:s6+$0x460];
	v12 =	vsel vm2, v15, v12;
	vm1 =	vgt.f32 v10, v16;
	v21 =	vshll.u32 v11, $0x2  }
0x196: {  	v12 =	vsel vm3, v13, v12;
	v13 =	vsel vm1, v10, v16;
	v10 =	vld [tilespmem:s6+$0x3C0];
	v15 =	vor.u32 $0x2, v21  }
0x197: {  	v16 =	vld [tilespmem:s6+$0xFFFFFCE0];
	v12 =	vsel vm0, v14, v12;
	vm0 =	vgt.f32 v9, v13;
	v14 =	vor.u32 $0x3, v21  }
0x198: {  	s0 =	sadd.s32 $0x10, s0;
	v17 =	vld [tilespmem:s6+$0xFFFFFC40];
	v12 =	vsel vm1, v18, v12;
	v13 =	vsel vm0, v9, v13  }
0x199: {  	s1 =	sadd.s32 $0x10, s1;
	v22 =	vor.u32 $0x1, v21;
	v18 =	vld [tilespmem:s6+$0xFFFFFB00];
	v12 =	vsel vm0, v19, v12;
	[tilespmem:s0+$0x0] =	vst v13  }
.Ltmp2:
0x19a: {  	v19 =	vld [tilespmem:s6+$0xFFFFFBA0];
	[tilespmem:s1+$0x0] =	vst v12;
	v9 =	vmov v20;
	(pc) =	sbr.rel @p1 .LBB2_6-.Ltmp2, $4  }
0x19b: {  	v15 =	vld.idx.msk [tilespmem:v15+s24+$0x0], $0xffff  }
0x19c: {  	v14 =	vld.idx.msk [tilespmem:v14+s24+$0x0], $0xffff  }
0x19d: {  	v13 =	vld.idx.msk [tilespmem:v21+s24+$0x0], $0xffff  }
0x19e: {  	s7 =	sadd.s32 $0x10, s7;
	v12 =	vld.idx.msk [tilespmem:v22+s24+$0x0], $0xffff  }
0x19f: {  	vm0 =	vgt.f32 v19, v18;
	v20 =	vld [tilespmem:s6+$0x320]  }
0x1a0: {  	v27 =	vld [tilespmem:s6+$0xFFFFFD80];
	v18 =	vsel vm0, v19, v18  }
0x1a1: {  	v21 =	vld [tilespmem:s6+$0x280];
	vm1 =	vgt.f32 v17, v18  }
0x1a2: {  	v28 =	vld [tilespmem:s6+$0xFFFFFE20];
	v17 =	vsel vm1, v17, v18  }
0x1a3: {  	v22 =	vld [tilespmem:s6+$0x1E0];
	vm2 =	vgt.f32 v16, v17  }
0x1a4: {  	v29 =	vld [tilespmem:s6+$0xFFFFFEC0];
	v16 =	vsel vm2, v16, v17  }
0x1a5: {  	v23 =	vld [tilespmem:s6+$0x140];
	vm3 =	vgt.f32 v27, v16  }
0x1a6: {  	v30 =	vld [tilespmem:s6+$0xFFFFFF60];
	v16 =	vsel vm3, v27, v16  }
0x1a7: {  	v24 =	vld [tilespmem:s6+$0xA0];
	vm4 =	vgt.f32 v28, v16  }
0x1a8: {  	v31 =	vld [tilespmem:s6+$0x0];
	s9 =	sadd.s32 $0x10, s31;
	v16 =	vsel vm4, v28, v16  }
0x1a9: {  	v25 =	vld [tilespmem:s9+$0xFFFFFB00];
	vm5 =	vgt.f32 v29, v16  }
0x1aa: {  	v26 =	vld [tilespmem:s9+$0xFFFFFBA0];
	v16 =	vsel vm5, v29, v16  }
0x1ab: {  	v32 =	vld [tilespmem:s9+$0xFFFFFC40];
	vm6 =	vgt.f32 v30, v16  }
0x1ac: {  	v27 =	vld [tilespmem:s9+$0xFFFFFCE0];
	v16 =	vsel vm6, v30, v16  }
0x1ad: {  	v33 =	vld [tilespmem:s9+$0xFFFFFD80];
	vm7 =	vgt.f32 v31, v16  }
0x1ae: {  	v34 =	vld [tilespmem:s9+$0xFFFFFE20];
	v16 =	vsel vm7, v31, v16  }
0x1af: {  	v35 =	vld [tilespmem:s9+$0xFFFFFEC0];
	v25 =	vsel vm0, v26, v25;
	vm9 =	vgt.f32 v24, v16  }
0x1b0: {  	v36 =	vld [tilespmem:s9+$0xFFFFFF60];
	v17 =	vsel vm1, v32, v25;
	v16 =	vsel vm9, v24, v16  }
0x1b1: {  	v37 =	vld [tilespmem:s9+$0x0];
	v17 =	vsel vm2, v27, v17;
	vm10 =	vgt.f32 v23, v16  }
0x1b2: {  	v38 =	vld [tilespmem:s9+$0xA0];
	v17 =	vsel vm3, v33, v17;
	v16 =	vsel vm10, v23, v16  }
0x1b3: {  	v39 =	vld [tilespmem:s9+$0x140];
	v17 =	vsel vm4, v34, v17;
	vm11 =	vgt.f32 v22, v16  }
0x1b4: {  	v40 =	vld [tilespmem:s9+$0x1E0];
	v17 =	vsel vm5, v35, v17;
	v16 =	vsel vm11, v22, v16  }
0x1b5: {  	v41 =	vld [tilespmem:s9+$0x280];
	v17 =	vsel vm6, v36, v17;
	vm12 =	vgt.f32 v21, v16  }
0x1b6: {  	v42 =	vld [tilespmem:s9+$0x320];
	v17 =	vsel vm7, v37, v17;
	v16 =	vsel vm12, v21, v16  }
0x1b7: {  	v43 =	vld [tilespmem:s9+$0x3C0];
	v17 =	vsel vm9, v38, v17;
	vm13 =	vgt.f32 v20, v16  }
0x1b8: {  	v45 =	vor.u32 s5, v4;
	v44 =	vld [tilespmem:s9+$0x460];
	v17 =	vsel vm10, v39, v17;
	v16 =	vsel vm13, v20, v16  }
0x1b9: {  	v46 =	vshll.u32 v45, $0x2;
	v17 =	vsel vm11, v40, v17;
	vm14 =	vgt.f32 v10, v16  }
0x1ba: {  	v47 =	vor.u32 $0x2, v46;
	v17 =	vsel vm12, v41, v17;
	v10 =	vsel vm14, v10, v16  }
0x1bb: {  	v48 =	vor.u32 $0x3, v46;
	v17 =	vsel vm13, v42, v17;
	vm15 =	vgt.f32 v9, v10  }
0x1bc: {  	s0 =	sadd.s32 $0x10, s0;
	v17 =	vsel vm14, v43, v17;
	v9 =	vsel vm15, v9, v10  }
0x1bd: {  	s31 =	sadd.s32 $0x10, s1;
	v10 =	vsel vm15, v44, v17;
	[tilespmem:s0+$0x0] =	vst v9;
	v9 =	vor.u32 $0x1, v46  }
0x1be: {  	[tilespmem:s31+$0x0] =	vst v10  }
0x1bf: {  	v49 =	vld.idx.msk [tilespmem:v47+s24+$0x0], $0xffff  }
0x1c0: {  	v10 =	vmul.f32 $5.000000000e-01, v15;
	v50 =	vld.idx.msk [tilespmem:v48+s24+$0x0], $0xffff  }
0x1c1: {  	v11 =	vshll.u32 v11, $0x3;
	v14 =	vmul.f32 $5.000000000e-01, v14;
	v52 =	vld.idx.msk [tilespmem:v46+s24+$0x0], $0xffff  }
0x1c2: {  	v53 =	vor.u32 $0x1, v11;
	v55 =	vor.u32 $0x2, v11;
	v51 =	vsub.f32 v13, v10;
	v9 =	vld.idx.msk [tilespmem:v9+s24+$0x0], $0xffff  }
0x1c3: {  	v56 =	vor.u32 $0x3, v11;
	v59 =	vshll.u32 v45, $0x3;
	v54 =	vsub.f32 v12, v14  }
0x1c4: {  	v10 =	vadd.f32 v10, v13;
	v17 =	vmul.f32 v51, v3;
	v15 =	vmul.f32 $5.000000000e-01, v49  }
0x1c5: {  	v58 =	vadd.f32 v14, v12;
	v57 =	vmul.f32 v54, v7;
	v16 =	vmul.f32 $5.000000000e-01, v50  }
0x1c6: {  	v10 =	vmul.f32 v10, v3;
	[tilespmem:v11+s29+$0x0] =	vst.idx.msk $0xffff, v17;
	v11 =	vor.u32 $0x1, v59;
	v60 =	vsub.f32 v52, v15  }
0x1c7: {  	v61 =	vor.u32 $0x2, v59;
	v12 =	vmul.f32 v58, v7;
	[tilespmem:v53+s29+$0x0] =	vst.idx.msk $0xffff, v57;
	v62 =	vsub.f32 v9, v16  }
0x1c8: {  	[tilespmem:v55+s29+$0x0] =	vst.idx.msk $0xffff, v10;
	v10 =	vor.u32 $0x3, v59;
	v15 =	vadd.f32 v15, v52;
	v17 =	vmul.f32 v60, v3  }
0x1c9: {  	[tilespmem:v56+s29+$0x0] =	vst.idx.msk $0xffff, v12;
	v9 =	vadd.f32 v16, v9;
	v63 =	vmul.f32 v62, v7  }
0x1ca: {  	v15 =	vmul.f32 v15, v3;
	[tilespmem:v59+s29+$0x0] =	vst.idx.msk $0xffff, v17  }
0x1cb: {  	v9 =	vmul.f32 v9, v7;
	[tilespmem:v11+s29+$0x0] =	vst.idx.msk $0xffff, v63  }
0x1cc: {  	[tilespmem:v61+s29+$0x0] =	vst.idx.msk $0xffff, v15  }
0x1cd: {  	s1 =	simm.s32 @!p0 $0xF410;
	s0 =	simm.s32 @!p0 $0x0;
	[tilespmem:v10+s29+$0x0] =	vst.idx.msk $0xffff, v9  }
0x1ce: {  	[hbm4b:s13+s0] =	stream.linear.scatter @!p0 [tilespmem:s1], [sflag:$0x4], $0xA0, $0x38;
	[tilespmem:$0xF550] =	vst v63  }
0x1cf: {  	s1 =	simm.s32 @!p0 $0x4  }
0x1d0: {  	_ =	swait.ge @!p0 [sflag:s1], $0xA0  }
0x1d1: {  	[sflag:s1] =	ssyncset.done @!p0 $0x0  }
0x1d2: {  	s5 =	simm.s32 @!p0 $0xF4B0;
	[sflag:s1] =	ssyncadd.s32 @!p0 $0xFFFFFF60  }
0x1d3: {  	[hbm4b:s14+s0] =	stream.linear.scatter @!p0 [tilespmem:s5], [sflag:$0x4], $0xA0, $0x38;
	[tilespmem:$0xF550] =	vst v63  }
0x1d4: {  	_ =	swait.ge @!p0 [sflag:s1], $0xA0  }
0x1d5: {  	[sflag:s1] =	ssyncset.done @!p0 $0x0  }
0x1d6: {  	s5 =	simm.s32 @!p0 $0xEF10;
	[sflag:s1] =	ssyncadd.s32 @!p0 $0xFFFFFF60  }
0x1d7: {  	[hbm4b:s15+s0] =	stream.linear.scatter @!p0 [tilespmem:s5], [sflag:$0x4], $0x500, $0x38;
	[tilespmem:$0xF550] =	vst v63  }
0x1d8: {  	_ =	swait.ge @!p0 [sflag:s1], $0x500  }
0x1d9: {  	[sflag:s1] =	ssyncset.done @!p0 $0x0  }
0x1da: {  	s0 =	simm.s32 @p0 $0x0;
	[sflag:s1] =	ssyncadd.s32 @!p0 $0xFFFFFB00;
	s1 =	simm.s32 @p0 $0xF410  }
0x1db: {  	[hbm4b:s16+s0] =	stream.linear.scatter @p0 [tilespmem:s1], [sflag:$0x4], $0x28, $0x38;
	[tilespmem:$0xF550] =	vst v63  }
0x1dc: {  	s1 =	simm.s32 @p0 $0x4  }
0x1dd: {  	_ =	swait.ge @p0 [sflag:s1], $0x28  }
0x1de: {  	[sflag:s1] =	ssyncset.done @p0 $0x0  }
0x1df: {  	s5 =	simm.s32 @p0 $0xF4B0;
	[sflag:s1] =	ssyncadd.s32 @p0 $0xFFFFFFD8  }
0x1e0: {  	[hbm4b:s17+s0] =	stream.linear.scatter @p0 [tilespmem:s5], [sflag:$0x4], $0x28, $0x38;
	[tilespmem:$0xF550] =	vst v63  }
0x1e1: {  	s30 =	sadd.s32 $0x1, s30;
	_ =	swait.ge @p0 [sflag:s1], $0x28  }
0x1e2: {  	p1 =	sne.s32 s30, s20;
	[sflag:s1] =	ssyncset.done @p0 $0x0  }
.Ltmp3:
0x1e3: {  	s5 =	simm.s32 @p0 $0xEF10;
	[sflag:s1] =	ssyncadd.s32 @p0 $0xFFFFFFD8;
	(pc) =	sbr.rel @p1 .LBB2_1-.Ltmp3, $4  }
0x1e4: {  	[hbm4b:s19+s0] =	stream.linear.scatter @p0 [tilespmem:s5], [sflag:$0x4], $0x140, $0x38;
	[tilespmem:$0xF550] =	vst v63  }
0x1e5: {  	_ =	swait.ge @p0 [sflag:s1], $0x140  }
0x1e6: {  	[sflag:s1] =	ssyncset.done @p0 $0x0  }
0x1e7: {  	[sflag:s1] =	ssyncadd.s32 @p0 $0xFFFFFEC0  }
0x1e8: {  	_ =	sfence.sel $0x180000  }
0x1e9: {  	[bflag:$0x0] =	sbarrier.arrive $0xFFFF  }
0x1ea: {  	_ =	strace $0x90000047  }
0x1eb: {  	s0 =	stileid.u32;
	[bflag:$0x2] =	sbarrier.arrive $0xFFFF  }
0x1ec: {  	p0 =	sne.s32 s0, $0x0;
	s0 =	rddreg [dreg:$0x6]  }
0x1ed: {  	s0 =	sadd.s32 @!p0 $0x100000, s0  }
0x1ee: {  	[sflag:s0] =	ssyncadd.tile.s32 @!p0 $0x1;
	_ =	shalt  }
.Lfunc_end2:
_tile_overlayer_lowered:
.L_overlay_start_2:
0x1ef: {  	(tag) =	ssettag $0x2  }
0x1f0: {  	s0 =	rddreg [dreg:$0x0];
	s2 =	stileid.u32  }
0x1f1: {  	s1 =	rddreg [dreg:$0x1];
	p0 =	sne.s32 s2, $0x0  }
0x1f2: {  	s3 =	rddreg [dreg:$0x2];
	[bflag:$0x3] =	sbarrier.arrive $0xFFFF;
	s2 =	simm.s32 @!p0 $0x1C04  }
0x1f3: {  	[timem:s3], [sflag:s2] =	dma.local @!p0 [hbm:s0], s1  }
0x1f4: {  	s0 =	simm.s32 @!p0 $0x4  }
0x1f5: {  	_ =	swait.ge @!p0 [sflag:s0], s1  }
0x1f6: {  	s1 =	ssub.s32 @!p0 $0x0, s1;
	[sflag:s0] =	ssyncset.done @!p0 $0x0  }
0x1f7: {  	[sflag:s0] =	ssyncadd.s32 @!p0 s1  }
0x1f8: {  	[bflag:$0x3] =	sbarrier.arrive $0xFFFF  }
0x1f9: {  	_ =	shalt  }

</sc_bundles>
